<compile_context>
chip_gen: v7x
topology: tpu7x:2x2x1
jax: 0.10.2.dev20260603
libtpu: 0.0.44.dev20260713+nightly
codegen_flags: <defaults>
</compile_context>

<pallas_src>
import jax
import jax.numpy as jnp
from jax import lax
from jax.experimental import pallas as pl
from jax.experimental.pallas import tpu as pltpu
from jax.experimental.pallas import tpu_sc as plsc

N = 10000
NPAD = 10240
E = 320000
NC = 2
NS = 16
NW = NC * NS
RPT = NPAD // NS
EPW = E // NW
B = 125
NCHUNK = EPW // B

_f32 = jnp.float32


def _make_seg_sum(D, with_deg):
  mesh = plsc.VectorSubcoreMesh(core_axis_name="c", subcore_axis_name="s")
  out_type = [jax.ShapeDtypeStruct((NC, NPAD, D), _f32)]
  scratch = [
      pltpu.VMEM((NCHUNK, B), jnp.int32),
      pltpu.VMEM((NCHUNK, B), jnp.int32),
      pltpu.VMEM((B, D), _f32),
      pltpu.VMEM((B, D), _f32),
      pltpu.VMEM_SHARED((NPAD, D), _f32),
      pltpu.VMEM_SHARED((NPAD, D), _f32),
      pltpu.SemaphoreType.DMA,
      pltpu.SemaphoreType.DMA,
  ]
  if with_deg:
    out_type.append(jax.ShapeDtypeStruct((NC, NPAD), _f32))
    scratch += [
        pltpu.VMEM((128,), _f32),
        pltpu.VMEM_SHARED((NPAD,), _f32),
        pltpu.SemaphoreType.DMA,
    ]

  def body(table_hbm, ei_hbm, zeros_hbm, *rest):
    if with_deg:
      (zd_hbm, acc_out, deg_out, src_v, dst_v, rows0, rows1, p_sh, acc_sh,
       sem0, sem1, ones_v, deg_sh, semd) = rest
    else:
      (acc_out, src_v, dst_v, rows0, rows1, p_sh, acc_sh,
       sem0, sem1) = rest
    c = lax.axis_index("c")
    s = lax.axis_index("s")
    wid = c * NS + s
    row0 = pl.multiple_of(s * RPT, 8)

    stage = pltpu.async_copy(table_hbm.at[pl.ds(row0, RPT)],
                             p_sh.at[pl.ds(row0, RPT)], sem0)
    ldsrc = pltpu.async_copy(ei_hbm.at[0, wid], src_v, sem1)
    pltpu.sync_copy(zeros_hbm, acc_sh.at[pl.ds(row0, RPT)])
    pltpu.sync_copy(ei_hbm.at[1, wid], dst_v)
    if with_deg:
      ones16 = jnp.ones((16,), _f32)
      for k in range(128 // 16):
        ones_v[pl.ds(k * 16, 16)] = ones16
      pltpu.sync_copy(zd_hbm, deg_sh.at[pl.ds(row0, RPT)])
    stage.wait()
    ldsrc.wait()
    plsc.subcore_barrier()

    def g_start(j, buf, sem):
      pltpu.async_copy(p_sh.at[src_v.at[j]], buf, sem)

    def g_wait(j, buf, sem):
      pltpu.make_async_copy(p_sh.at[src_v.at[j]], buf, sem).wait()

    def consume(j, buf):
      pltpu.sync_copy(buf, acc_sh.at[dst_v.at[j]], add=True)
      if with_deg:
        pltpu.async_copy(ones_v.at[pl.ds(0, B)], deg_sh.at[dst_v.at[j]],
                        semd, add=True)

    g_start(0, rows0, sem0)
    g_start(1, rows1, sem1)

    def step(i, carry):
      j0 = 2 * i
      g_wait(j0, rows0, sem0)
      consume(j0, rows0)
      g_start(j0 + 2, rows0, sem0)
      g_wait(j0 + 1, rows1, sem1)
      consume(j0 + 1, rows1)
      g_start(j0 + 3, rows1, sem1)
      return carry

    lax.fori_loop(0, NCHUNK // 2 - 1, step, 0)
    g_wait(NCHUNK - 2, rows0, sem0)
    consume(NCHUNK - 2, rows0)
    g_wait(NCHUNK - 1, rows1, sem1)
    consume(NCHUNK - 1, rows1)
    if with_deg:
      def drain(j, carry):
        pltpu.make_async_copy(ones_v.at[pl.ds(0, B)],
                              deg_sh.at[dst_v.at[j]], semd).wait()
        return carry
      lax.fori_loop(0, NCHUNK, drain, 0)
    plsc.subcore_barrier()

    pltpu.sync_copy(acc_sh.at[pl.ds(row0, RPT)],
                    acc_out.at[c, pl.ds(row0, RPT)])
    if with_deg:
      pltpu.sync_copy(deg_sh.at[pl.ds(row0, RPT)],
                      deg_out.at[c, pl.ds(row0, RPT)])

  return pl.kernel(body, out_type=out_type, mesh=mesh, scratch_types=scratch,
                   compiler_params=pltpu.CompilerParams(
                       use_tc_tiling_on_sc=False))


_seg_sum_l1 = _make_seg_sum(32, with_deg=True)
_seg_sum_l2 = _make_seg_sum(16, with_deg=False)

BN = 5120
_ONES2 = (((0,), (0,)), ((), ()))


def _rdeg_col(deg2):
  ones2 = jnp.ones((2, 1), _f32)
  deg = lax.dot_general(deg2, ones2, _ONES2, preferred_element_type=_f32)
  return 1.0 / jnp.maximum(deg, 1.0)


def _stage1_body(x_ref, wl_ref, wr_ref, t_o, r_o):
  xv = x_ref[...]
  t_o[...] = jnp.dot(xv, wl_ref[...], preferred_element_type=_f32)
  r_o[...] = jnp.dot(xv, wr_ref[...], preferred_element_type=_f32)


def _mid_body(acc_ref, deg_ref, p1r_ref, b1_ref, w2l_ref, w2r_ref,
              t_o, p2r_o):
  acc = acc_ref[...]
  s1 = acc[0] + acc[1]
  rdeg = _rdeg_col(deg_ref[...])
  h = s1 * rdeg + b1_ref[...] + p1r_ref[...]
  h = jnp.maximum(h, 0.0)
  t_o[...] = jnp.dot(h, w2l_ref[...], preferred_element_type=_f32)
  p2r_o[...] = jnp.dot(h, w2r_ref[...], preferred_element_type=_f32)


def _dec_body(acc_ref, deg_ref, p2r_ref, b2_ref, wd_ref, bd_ref,
              xr_o, z_o):
  acc = acc_ref[...]
  rdeg = _rdeg_col(deg_ref[...])
  z = (acc[0] + acc[1]) * rdeg + b2_ref[...] + p2r_ref[...]
  z_o[...] = z
  xr_o[...] = jnp.dot(z, wd_ref[...], preferred_element_type=_f32) + bd_ref[...]


def _row_blocks(width, bn=BN):
  return pl.BlockSpec((bn, width), lambda i: (i, 0))


def _acc_blocks(width, bn=BN):
  return pl.BlockSpec((NC, bn, width), lambda i: (0, i, 0))


def _deg_blocks(bn=BN):
  return pl.BlockSpec((NC, bn), lambda i: (0, i))


def _full(shape):
  return pl.BlockSpec(shape, lambda i: tuple(0 for _ in shape))


def kernel(x, edge_index, W1_l, b1_l, W1_r, W2_l, b2_l, W2_r, W_dec, b_dec):
  ei = lax.convert_element_type(edge_index, jnp.int32).reshape(
      2, NW, NCHUNK, B)
  z1 = jnp.zeros((RPT, 32), _f32)
  z2 = jnp.zeros((RPT, 16), _f32)

  table1, p1r = pl.pallas_call(
      _stage1_body,
      grid=(NPAD // BN,),
      in_specs=[_row_blocks(128), _full((128, 32)), _full((128, 32))],
      out_specs=[_row_blocks(32), _row_blocks(32)],
      out_shape=[jax.ShapeDtypeStruct((NPAD, 32), _f32),
                 jax.ShapeDtypeStruct((NPAD, 32), _f32)],
  )(x, W1_l.T, W1_r.T)

  acc1, degp = _seg_sum_l1(table1, ei, z1, jnp.zeros((RPT,), _f32))

  table2, p2r = pl.pallas_call(
      _mid_body,
      grid=(NPAD // BN,),
      in_specs=[_acc_blocks(32), _deg_blocks(), _row_blocks(32),
                _full((1, 32)), _full((32, 16)), _full((32, 16))],
      out_specs=[_row_blocks(16), _row_blocks(16)],
      out_shape=[jax.ShapeDtypeStruct((NPAD, 16), _f32),
                 jax.ShapeDtypeStruct((NPAD, 16), _f32)],
  )(acc1, degp, p1r, b1_l[None, :], W2_l.T, W2_r.T)

  (acc2,) = _seg_sum_l2(table2, ei, z2)

  x_recon, z = pl.pallas_call(
      _dec_body,
      grid=(NPAD // BN,),
      in_specs=[_acc_blocks(16), _deg_blocks(), _row_blocks(16),
                _full((1, 16)), _full((16, 128)), _full((1, 128))],
      out_specs=[_row_blocks(128), _row_blocks(16)],
      out_shape=[jax.ShapeDtypeStruct((N, 128), _f32),
                 jax.ShapeDtypeStruct((N, 16), _f32)],
  )(acc2, degp, p2r, b2_l[None, :], W_dec.T, b_dec[None, :])

  return (x_recon, z)

# --- scband reference (transcript-rebuilt; emitter-appended) ---
"""Pipeline reference for scband-anomaly-detector-12575664242837 (READ-ONLY COPY).

The authoritative reference and input builder live on the scoring server;
editing this copy changes nothing except your own understanding.
"""

import jax, jax.numpy as jnp
import numpy as np

N_NODES = 10000
N_EDGES = 320000
D_IN = 128
D_HID = 32
D_LAT = 16


def setup_inputs(seed: int = 0) -> dict:
    key = jax.random.key(seed)
    ks = jax.random.split(key, 10)
    x = jax.random.normal(ks[0], (N_NODES, D_IN), dtype=jnp.float32)
    edge_index = jax.random.randint(ks[1], (2, N_EDGES), 0, N_NODES, dtype=jnp.int64)
    W1_l = jax.random.normal(ks[2], (D_HID, D_IN), dtype=jnp.float32) * 0.05
    b1_l = jnp.zeros((D_HID,), dtype=jnp.float32)
    W1_r = jax.random.normal(ks[3], (D_HID, D_IN), dtype=jnp.float32) * 0.05
    W2_l = jax.random.normal(ks[4], (D_LAT, D_HID), dtype=jnp.float32) * 0.05
    b2_l = jnp.zeros((D_LAT,), dtype=jnp.float32)
    W2_r = jax.random.normal(ks[5], (D_LAT, D_HID), dtype=jnp.float32) * 0.05
    W_dec = jax.random.normal(ks[6], (D_IN, D_LAT), dtype=jnp.float32) * 0.05
    b_dec = jnp.zeros((D_IN,), dtype=jnp.float32)
    return {"x": x, "edge_index": edge_index, "W1_l": W1_l, "b1_l": b1_l, "W1_r": W1_r,
            "W2_l": W2_l, "b2_l": b2_l, "W2_r": W2_r, "W_dec": W_dec, "b_dec": b_dec}


def _sage_conv(x, edge_index, W_l, b_l, W_r, num_nodes):
    # PyG SAGEConv (mean aggr): out = lin_l(mean_j x_j) + lin_r(x)
    src = edge_index[0]
    dst = edge_index[1]
    msg = jnp.take(x, src, axis=0)
    agg = jax.ops.segment_sum(msg, dst, num_segments=num_nodes)
    deg = jax.ops.segment_sum(jnp.ones((src.shape[0],), dtype=x.dtype), dst, num_segments=num_nodes)
    deg = jnp.maximum(deg, 1.0)
    agg = agg / deg[:, None]
    return agg @ W_l.T + b_l + x @ W_r.T


def reference(x, edge_index, W1_l, b1_l, W1_r, W2_l, b2_l, W2_r, W_dec, b_dec):
    n = x.shape[0]
    h = _sage_conv(x, edge_index, W1_l, b1_l, W1_r, n)
    h = jax.nn.relu(h)
    z = _sage_conv(h, edge_index, W2_l, b2_l, W2_r, n)
    x_recon = z @ W_dec.T + b_dec
    return (x_recon, z)

if __name__ == "__main__":
    import jax
    _d = setup_inputs()
    print(jax.jit(kernel)(*tuple(_d.values())))

</pallas_src>

<mosaic_0001>
#map = affine_map<(d0, d1) -> (0, 0)>
#map1 = affine_map<(d0, d1) -> (0, 0, 0, 0)>
#map2 = affine_map<(d0, d1) -> (0)>
#map3 = affine_map<(d0, d1) -> (0, 0, 0)>
module attributes {stable_mosaic.version = 14 : i64} {
  func.func @body(%arg0: i32, %arg1: i32, %arg2: memref<10240x32xf32, #tpu.memory_space<hbm>>, %arg3: memref<2x32x80x125xi32, #tpu.memory_space<hbm>>, %arg4: memref<640x32xf32, #tpu.memory_space<hbm>>, %arg5: memref<640xf32, #tpu.memory_space<hbm>>, %arg6: memref<2x10240x32xf32, #tpu.memory_space<hbm>>, %arg7: memref<2x10240xf32, #tpu.memory_space<hbm>>, %arg8: memref<80x125xi32, #tpu.memory_space<vmem>>, %arg9: memref<80x125xi32, #tpu.memory_space<vmem>>, %arg10: memref<125x32xf32, #tpu.memory_space<vmem>>, %arg11: memref<125x32xf32, #tpu.memory_space<vmem>>, %arg12: memref<10240x32xf32, #tpu.memory_space<vmem_shared>>, %arg13: memref<10240x32xf32, #tpu.memory_space<vmem_shared>>, %arg14: memref<!tpu.dma_semaphore, #tpu.memory_space<semaphore_mem>>, %arg15: memref<!tpu.dma_semaphore, #tpu.memory_space<semaphore_mem>>, %arg16: memref<128xf32, #tpu.memory_space<vmem>>, %arg17: memref<10240xf32, #tpu.memory_space<vmem_shared>>, %arg18: memref<!tpu.dma_semaphore, #tpu.memory_space<semaphore_mem>>) attributes {dimension_semantics = [#tpu.dimension_semantics<core_parallel>, #tpu.dimension_semantics<subcore_parallel>], iteration_bounds = array<i64: 2, 16>, scalar_prefetch = 0 : i64, scratch_operands = 11 : i64, tpu.core_type = #tpu.core_type<sc_vector_subcore>, window_params = [{transform_indices = #map}, {transform_indices = #map1}, {transform_indices = #map}, {transform_indices = #map2}, {transform_indices = #map3}, {transform_indices = #map}]} {
    %mul3A = arith.constant 16 : i32
    %mul3A_0 = arith.muli %arg0, %mul3A : i32
    %add3A = arith.addi %mul3A_0, %arg1 : i32
    %mul3A_1 = arith.constant 640 : i32
    %mul3A_2 = arith.muli %arg1, %mul3A_1 : i32
    %multiple_of3A = tpu.assume_multiple %mul3A_2, 8 : i32
    %dma_start3A = arith.constant 0 : i32
    %dma_start3A_3 = tpu.memref_slice %arg12[%multiple_of3A, %dma_start3A] : memref<10240x32xf32, #tpu.memory_space<vmem_shared>> -> memref<640x32xf32, #tpu.memory_space<vmem_shared>>
    %dma_start3A_4 = arith.constant 0 : i32
    %dma_start3A_5 = tpu.memref_slice %arg2[%multiple_of3A, %dma_start3A_4] : memref<10240x32xf32, #tpu.memory_space<hbm>> -> memref<640x32xf32, #tpu.memory_space<hbm>>
    tpu.enqueue_dma source(%dma_start3A_5 : memref<640x32xf32, #tpu.memory_space<hbm>>) target(%dma_start3A_3 : memref<640x32xf32, #tpu.memory_space<vmem_shared>>) target_semaphore(%arg14 : memref<!tpu.dma_semaphore, #tpu.memory_space<semaphore_mem>>)
    %dma_start3A_6 = arith.constant 0 : i32
    %dma_start3A_7 = arith.constant 0 : i32
    %dma_start3A_8 = arith.constant 0 : i32
    %dma_start3A_9 = tpu.memref_slice %arg3[%dma_start3A_6, %add3A, %dma_start3A_7, %dma_start3A_8] : memref<2x32x80x125xi32, #tpu.memory_space<hbm>> -> memref<1x1x80x125xi32, #tpu.memory_space<hbm>>
    %dma_start3A_10 = tpu.memref_squeeze %dma_start3A_9 : memref<1x1x80x125xi32, #tpu.memory_space<hbm>> -> memref<80x125xi32, #tpu.memory_space<hbm>>
    %dma_start3A_11 = arith.constant 0 : i32
    %dma_start3A_12 = arith.constant 0 : i32
    %dma_start3A_13 = tpu.memref_slice %arg3[%dma_start3A_6, %add3A, %dma_start3A_11, %dma_start3A_12] : memref<2x32x80x125xi32, #tpu.memory_space<hbm>> -> memref<1x1x80x125xi32, #tpu.memory_space<hbm>>
    %dma_start3A_14 = tpu.memref_squeeze %dma_start3A_13 : memref<1x1x80x125xi32, #tpu.memory_space<hbm>> -> memref<80x125xi32, #tpu.memory_space<hbm>>
    tpu.enqueue_dma source(%dma_start3A_14 : memref<80x125xi32, #tpu.memory_space<hbm>>) target(%arg8 : memref<80x125xi32, #tpu.memory_space<vmem>>) target_semaphore(%arg15 : memref<!tpu.dma_semaphore, #tpu.memory_space<semaphore_mem>>)
    "tpu.region"() ({
      %run_scoped3A_117 = tpu.sem_alloc : memref<!tpu.dma_semaphore, #tpu.memory_space<semaphore_mem>>
      %dma_start3A_118 = arith.constant 0 : i32
      %dma_start3A_119 = tpu.memref_slice %arg13[%multiple_of3A, %dma_start3A_118] : memref<10240x32xf32, #tpu.memory_space<vmem_shared>> -> memref<640x32xf32, #tpu.memory_space<vmem_shared>>
      tpu.enqueue_dma source(%arg4 : memref<640x32xf32, #tpu.memory_space<hbm>>) target(%dma_start3A_119 : memref<640x32xf32, #tpu.memory_space<vmem_shared>>) target_semaphore(%run_scoped3A_117 : memref<!tpu.dma_semaphore, #tpu.memory_space<semaphore_mem>>)
      %dma_wait3A_120 = arith.constant 0 : i32
      %dma_wait3A_121 = tpu.memref_slice %arg13[%multiple_of3A, %dma_wait3A_120] : memref<10240x32xf32, #tpu.memory_space<vmem_shared>> -> memref<640x32xf32, #tpu.memory_space<vmem_shared>>
      tpu.wait_dma2 semaphore(%run_scoped3A_117 : memref<!tpu.dma_semaphore, #tpu.memory_space<semaphore_mem>>) src(%arg4 : memref<640x32xf32, #tpu.memory_space<hbm>>) dst(%dma_wait3A_121 : memref<640x32xf32, #tpu.memory_space<vmem_shared>>)
      tpu.yield
    }) : () -> ()
    %run_scoped3A = arith.constant 1 : i32
    "tpu.region"() ({
      %run_scoped3A_117 = tpu.sem_alloc : memref<!tpu.dma_semaphore, #tpu.memory_space<semaphore_mem>>
      %dma_start3A_118 = arith.constant 0 : i32
      %dma_start3A_119 = arith.constant 0 : i32
      %dma_start3A_120 = tpu.memref_slice %arg3[%run_scoped3A, %add3A, %dma_start3A_118, %dma_start3A_119] : memref<2x32x80x125xi32, #tpu.memory_space<hbm>> -> memref<1x1x80x125xi32, #tpu.memory_space<hbm>>
      %dma_start3A_121 = tpu.memref_squeeze %dma_start3A_120 : memref<1x1x80x125xi32, #tpu.memory_space<hbm>> -> memref<80x125xi32, #tpu.memory_space<hbm>>
      %dma_start3A_122 = arith.constant 0 : i32
      %dma_start3A_123 = arith.constant 0 : i32
      %dma_start3A_124 = tpu.memref_slice %arg3[%run_scoped3A, %add3A, %dma_start3A_122, %dma_start3A_123] : memref<2x32x80x125xi32, #tpu.memory_space<hbm>> -> memref<1x1x80x125xi32, #tpu.memory_space<hbm>>
      %dma_start3A_125 = tpu.memref_squeeze %dma_start3A_124 : memref<1x1x80x125xi32, #tpu.memory_space<hbm>> -> memref<80x125xi32, #tpu.memory_space<hbm>>
      tpu.enqueue_dma source(%dma_start3A_125 : memref<80x125xi32, #tpu.memory_space<hbm>>) target(%arg9 : memref<80x125xi32, #tpu.memory_space<vmem>>) target_semaphore(%run_scoped3A_117 : memref<!tpu.dma_semaphore, #tpu.memory_space<semaphore_mem>>)
      %dma_wait3A_126 = arith.constant 0 : i32
      %dma_wait3A_127 = arith.constant 0 : i32
      %dma_wait3A_128 = tpu.memref_slice %arg3[%run_scoped3A, %add3A, %dma_wait3A_126, %dma_wait3A_127] : memref<2x32x80x125xi32, #tpu.memory_space<hbm>> -> memref<1x1x80x125xi32, #tpu.memory_space<hbm>>
      %dma_wait3A_129 = tpu.memref_squeeze %dma_wait3A_128 : memref<1x1x80x125xi32, #tpu.memory_space<hbm>> -> memref<80x125xi32, #tpu.memory_space<hbm>>
      %dma_wait3A_130 = arith.constant 0 : i32
      %dma_wait3A_131 = arith.constant 0 : i32
      %dma_wait3A_132 = tpu.memref_slice %arg3[%run_scoped3A, %add3A, %dma_wait3A_130, %dma_wait3A_131] : memref<2x32x80x125xi32, #tpu.memory_space<hbm>> -> memref<1x1x80x125xi32, #tpu.memory_space<hbm>>
      %dma_wait3A_133 = tpu.memref_squeeze %dma_wait3A_132 : memref<1x1x80x125xi32, #tpu.memory_space<hbm>> -> memref<80x125xi32, #tpu.memory_space<hbm>>
      tpu.wait_dma2 semaphore(%run_scoped3A_117 : memref<!tpu.dma_semaphore, #tpu.memory_space<semaphore_mem>>) src(%dma_wait3A_133 : memref<80x125xi32, #tpu.memory_space<hbm>>) dst(%arg9 : memref<80x125xi32, #tpu.memory_space<vmem>>)
      tpu.yield
    }) : () -> ()
    %broadcast_in_dim3A = arith.constant 1.000000e+00 : f32
    %broadcast_in_dim3A_15 = vector.broadcast %broadcast_in_dim3A : f32 to vector<16xf32>
    %swap3A = arith.constant 0 : index
    %swap3A_16 = tpu.vector_load %arg16[%swap3A] {strides = array<i32>} : memref<128xf32, #tpu.memory_space<vmem>>, vector<16xf32>,
    %swap3A_17 = vector.shape_cast %swap3A_16 : vector<16xf32> to vector<16xf32>
    %swap3A_18 = vector.shape_cast %broadcast_in_dim3A_15 : vector<16xf32> to vector<16xf32>
    tpu.vector_store %arg16[%swap3A], %swap3A_18 {strides = array<i32>} : memref<128xf32, #tpu.memory_space<vmem>>, vector<16xf32>,
    %swap3A_19 = arith.constant 16 : index
    %swap3A_20 = tpu.vector_load %arg16[%swap3A_19] {strides = array<i32>} : memref<128xf32, #tpu.memory_space<vmem>>, vector<16xf32>,
    %swap3A_21 = vector.shape_cast %swap3A_20 : vector<16xf32> to vector<16xf32>
    %swap3A_22 = vector.shape_cast %broadcast_in_dim3A_15 : vector<16xf32> to vector<16xf32>
    tpu.vector_store %arg16[%swap3A_19], %swap3A_22 {strides = array<i32>} : memref<128xf32, #tpu.memory_space<vmem>>, vector<16xf32>,
    %swap3A_23 = arith.constant 32 : index
    %swap3A_24 = tpu.vector_load %arg16[%swap3A_23] {strides = array<i32>} : memref<128xf32, #tpu.memory_space<vmem>>, vector<16xf32>,
    %swap3A_25 = vector.shape_cast %swap3A_24 : vector<16xf32> to vector<16xf32>
    %swap3A_26 = vector.shape_cast %broadcast_in_dim3A_15 : vector<16xf32> to vector<16xf32>
    tpu.vector_store %arg16[%swap3A_23], %swap3A_26 {strides = array<i32>} : memref<128xf32, #tpu.memory_space<vmem>>, vector<16xf32>,
    %swap3A_27 = arith.constant 48 : index
    %swap3A_28 = tpu.vector_load %arg16[%swap3A_27] {strides = array<i32>} : memref<128xf32, #tpu.memory_space<vmem>>, vector<16xf32>,
    %swap3A_29 = vector.shape_cast %swap3A_28 : vector<16xf32> to vector<16xf32>
    %swap3A_30 = vector.shape_cast %broadcast_in_dim3A_15 : vector<16xf32> to vector<16xf32>
    tpu.vector_store %arg16[%swap3A_27], %swap3A_30 {strides = array<i32>} : memref<128xf32, #tpu.memory_space<vmem>>, vector<16xf32>,
    %swap3A_31 = arith.constant 64 : index
    %swap3A_32 = tpu.vector_load %arg16[%swap3A_31] {strides = array<i32>} : memref<128xf32, #tpu.memory_space<vmem>>, vector<16xf32>,
    %swap3A_33 = vector.shape_cast %swap3A_32 : vector<16xf32> to vector<16xf32>
    %swap3A_34 = vector.shape_cast %broadcast_in_dim3A_15 : vector<16xf32> to vector<16xf32>
    tpu.vector_store %arg16[%swap3A_31], %swap3A_34 {strides = array<i32>} : memref<128xf32, #tpu.memory_space<vmem>>, vector<16xf32>,
    %swap3A_35 = arith.constant 80 : index
    %swap3A_36 = tpu.vector_load %arg16[%swap3A_35] {strides = array<i32>} : memref<128xf32, #tpu.memory_space<vmem>>, vector<16xf32>,
    %swap3A_37 = vector.shape_cast %swap3A_36 : vector<16xf32> to vector<16xf32>
    %swap3A_38 = vector.shape_cast %broadcast_in_dim3A_15 : vector<16xf32> to vector<16xf32>
    tpu.vector_store %arg16[%swap3A_35], %swap3A_38 {strides = array<i32>} : memref<128xf32, #tpu.memory_space<vmem>>, vector<16xf32>,
    %swap3A_39 = arith.constant 96 : index
    %swap3A_40 = tpu.vector_load %arg16[%swap3A_39] {strides = array<i32>} : memref<128xf32, #tpu.memory_space<vmem>>, vector<16xf32>,
    %swap3A_41 = vector.shape_cast %swap3A_40 : vector<16xf32> to vector<16xf32>
    %swap3A_42 = vector.shape_cast %broadcast_in_dim3A_15 : vector<16xf32> to vector<16xf32>
    tpu.vector_store %arg16[%swap3A_39], %swap3A_42 {strides = array<i32>} : memref<128xf32, #tpu.memory_space<vmem>>, vector<16xf32>,
    %swap3A_43 = arith.constant 112 : index
    %swap3A_44 = tpu.vector_load %arg16[%swap3A_43] {strides = array<i32>} : memref<128xf32, #tpu.memory_space<vmem>>, vector<16xf32>,
    %swap3A_45 = vector.shape_cast %swap3A_44 : vector<16xf32> to vector<16xf32>
    %swap3A_46 = vector.shape_cast %broadcast_in_dim3A_15 : vector<16xf32> to vector<16xf32>
    tpu.vector_store %arg16[%swap3A_43], %swap3A_46 {strides = array<i32>} : memref<128xf32, #tpu.memory_space<vmem>>, vector<16xf32>,
    "tpu.region"() ({
      %run_scoped3A_117 = tpu.sem_alloc : memref<!tpu.dma_semaphore, #tpu.memory_space<semaphore_mem>>
      %dma_start3A_118 = tpu.memref_slice %arg17[%multiple_of3A] : memref<10240xf32, #tpu.memory_space<vmem_shared>> -> memref<640xf32, #tpu.memory_space<vmem_shared>>
      tpu.enqueue_dma source(%arg5 : memref<640xf32, #tpu.memory_space<hbm>>) target(%dma_start3A_118 : memref<640xf32, #tpu.memory_space<vmem_shared>>) target_semaphore(%run_scoped3A_117 : memref<!tpu.dma_semaphore, #tpu.memory_space<semaphore_mem>>)
      %dma_wait3A_119 = tpu.memref_slice %arg17[%multiple_of3A] : memref<10240xf32, #tpu.memory_space<vmem_shared>> -> memref<640xf32, #tpu.memory_space<vmem_shared>>
      tpu.wait_dma2 semaphore(%run_scoped3A_117 : memref<!tpu.dma_semaphore, #tpu.memory_space<semaphore_mem>>) src(%arg5 : memref<640xf32, #tpu.memory_space<hbm>>) dst(%dma_wait3A_119 : memref<640xf32, #tpu.memory_space<vmem_shared>>)
      tpu.yield
    }) : () -> ()
    %dma_wait3A = arith.constant 0 : i32
    %dma_wait3A_47 = tpu.memref_slice %arg12[%multiple_of3A, %dma_wait3A] : memref<10240x32xf32, #tpu.memory_space<vmem_shared>> -> memref<640x32xf32, #tpu.memory_space<vmem_shared>>
    %dma_wait3A_48 = arith.constant 0 : i32
    %dma_wait3A_49 = tpu.memref_slice %arg2[%multiple_of3A, %dma_wait3A_48] : memref<10240x32xf32, #tpu.memory_space<hbm>> -> memref<640x32xf32, #tpu.memory_space<hbm>>
    tpu.wait_dma2 semaphore(%arg14 : memref<!tpu.dma_semaphore, #tpu.memory_space<semaphore_mem>>) src(%dma_wait3A_49 : memref<640x32xf32, #tpu.memory_space<hbm>>) dst(%dma_wait3A_47 : memref<640x32xf32, #tpu.memory_space<vmem_shared>>)
    %dma_wait3A_50 = arith.constant 0 : i32
    %dma_wait3A_51 = arith.constant 0 : i32
    %dma_wait3A_52 = arith.constant 0 : i32
    %dma_wait3A_53 = tpu.memref_slice %arg3[%dma_wait3A_50, %add3A, %dma_wait3A_51, %dma_wait3A_52] : memref<2x32x80x125xi32, #tpu.memory_space<hbm>> -> memref<1x1x80x125xi32, #tpu.memory_space<hbm>>
    %dma_wait3A_54 = tpu.memref_squeeze %dma_wait3A_53 : memref<1x1x80x125xi32, #tpu.memory_space<hbm>> -> memref<80x125xi32, #tpu.memory_space<hbm>>
    %dma_wait3A_55 = arith.constant 0 : i32
    %dma_wait3A_56 = arith.constant 0 : i32
    %dma_wait3A_57 = tpu.memref_slice %arg3[%dma_wait3A_50, %add3A, %dma_wait3A_55, %dma_wait3A_56] : memref<2x32x80x125xi32, #tpu.memory_space<hbm>> -> memref<1x1x80x125xi32, #tpu.memory_space<hbm>>
    %dma_wait3A_58 = tpu.memref_squeeze %dma_wait3A_57 : memref<1x1x80x125xi32, #tpu.memory_space<hbm>> -> memref<80x125xi32, #tpu.memory_space<hbm>>
    tpu.wait_dma2 semaphore(%arg15 : memref<!tpu.dma_semaphore, #tpu.memory_space<semaphore_mem>>) src(%dma_wait3A_58 : memref<80x125xi32, #tpu.memory_space<hbm>>) dst(%arg8 : memref<80x125xi32, #tpu.memory_space<vmem>>)
    %barrier3A = arith.constant 0 : index
    tpu.barrier barrier_id(%barrier3A)
    %dma_start3A_59 = arith.constant 0 : i32
    %dma_start3A_60 = arith.constant 0 : i32
    %dma_start3A_61 = tpu.memref_slice %arg8[%dma_start3A_59, %dma_start3A_60] : memref<80x125xi32, #tpu.memory_space<vmem>> -> memref<1x125xi32, #tpu.memory_space<vmem>>
    %dma_start3A_62 = tpu.memref_squeeze %dma_start3A_61 : memref<1x125xi32, #tpu.memory_space<vmem>> -> memref<125xi32, #tpu.memory_space<vmem>>
    %dma_start3A_63 = arith.constant 0 : i32
    %dma_start3A_64 = arith.constant 0 : i32
    %dma_start3A_65 = tpu.memref_slice %arg12[%dma_start3A_63, %dma_start3A_64] : memref<10240x32xf32, #tpu.memory_space<vmem_shared>> -> memref<10240x32xf32, #tpu.memory_space<vmem_shared>>
    tpu.enqueue_indirect_dma source(%dma_start3A_65 : memref<10240x32xf32, #tpu.memory_space<vmem_shared>>) target(%arg10 : memref<125x32xf32, #tpu.memory_space<vmem>>) offsets(%dma_start3A_62 : memref<125xi32, #tpu.memory_space<vmem>>) semaphore(%arg14 : memref<!tpu.dma_semaphore, #tpu.memory_space<semaphore_mem>>)
    %dma_start3A_66 = arith.constant 1 : i32
    %dma_start3A_67 = arith.constant 0 : i32
    %dma_start3A_68 = tpu.memref_slice %arg8[%dma_start3A_66, %dma_start3A_67] : memref<80x125xi32, #tpu.memory_space<vmem>> -> memref<1x125xi32, #tpu.memory_space<vmem>>
    %dma_start3A_69 = tpu.memref_squeeze %dma_start3A_68 : memref<1x125xi32, #tpu.memory_space<vmem>> -> memref<125xi32, #tpu.memory_space<vmem>>
    %dma_start3A_70 = arith.constant 0 : i32
    %dma_start3A_71 = arith.constant 0 : i32
    %dma_start3A_72 = tpu.memref_slice %arg12[%dma_start3A_70, %dma_start3A_71] : memref<10240x32xf32, #tpu.memory_space<vmem_shared>> -> memref<10240x32xf32, #tpu.memory_space<vmem_shared>>
    tpu.enqueue_indirect_dma source(%dma_start3A_72 : memref<10240x32xf32, #tpu.memory_space<vmem_shared>>) target(%arg11 : memref<125x32xf32, #tpu.memory_space<vmem>>) offsets(%dma_start3A_69 : memref<125xi32, #tpu.memory_space<vmem>>) semaphore(%arg15 : memref<!tpu.dma_semaphore, #tpu.memory_space<semaphore_mem>>)
    %scan3A = arith.constant 0 : i32
    %scan3A_73 = arith.constant 0 : i32
    %scan3A_74 = arith.constant 39 : i32
    %scan3A_75 = arith.addi %scan3A_73, %scan3A_74 : i32
    %scan3A_76 = arith.constant 1 : i32
    scf.for %scan3A_117 = %scan3A_73 to %scan3A_75 step %scan3A_76  : i32 {
      %mul3A_118 = arith.constant 2 : i32
      %mul3A_119 = arith.muli %mul3A_118, %scan3A_117 : i32
      %dma_wait3A_120 = arith.constant 0 : i32
      %dma_wait3A_121 = tpu.memref_slice %arg8[%mul3A_119, %dma_wait3A_120] : memref<80x125xi32, #tpu.memory_space<vmem>> -> memref<1x125xi32, #tpu.memory_space<vmem>>
      %dma_wait3A_122 = tpu.memref_squeeze %dma_wait3A_121 : memref<1x125xi32, #tpu.memory_space<vmem>> -> memref<125xi32, #tpu.memory_space<vmem>>
      %dma_wait3A_123 = arith.constant 0 : i32
      %dma_wait3A_124 = arith.constant 0 : i32
      %dma_wait3A_125 = tpu.memref_slice %arg12[%dma_wait3A_123, %dma_wait3A_124] : memref<10240x32xf32, #tpu.memory_space<vmem_shared>> -> memref<10240x32xf32, #tpu.memory_space<vmem_shared>>
      tpu.wait_indirect_dma semaphore(%arg14 : memref<!tpu.dma_semaphore, #tpu.memory_space<semaphore_mem>>) src(%dma_wait3A_125 : memref<10240x32xf32, #tpu.memory_space<vmem_shared>>) dst(%arg10 : memref<125x32xf32, #tpu.memory_space<vmem>>)
      "tpu.region"() ({
        %run_scoped3A_166 = tpu.sem_alloc : memref<!tpu.dma_semaphore, #tpu.memory_space<semaphore_mem>>
        %dma_start3A_167 = arith.constant 0 : i32
        %dma_start3A_168 = tpu.memref_slice %arg9[%mul3A_119, %dma_start3A_167] : memref<80x125xi32, #tpu.memory_space<vmem>> -> memref<1x125xi32, #tpu.memory_space<vmem>>
        %dma_start3A_169 = tpu.memref_squeeze %dma_start3A_168 : memref<1x125xi32, #tpu.memory_space<vmem>> -> memref<125xi32, #tpu.memory_space<vmem>>
        %dma_start3A_170 = arith.constant 0 : i32
        %dma_start3A_171 = arith.constant 0 : i32
        %dma_start3A_172 = tpu.memref_slice %arg13[%dma_start3A_170, %dma_start3A_171] : memref<10240x32xf32, #tpu.memory_space<vmem_shared>> -> memref<10240x32xf32, #tpu.memory_space<vmem_shared>>
        tpu.enqueue_indirect_dma source(%arg10 : memref<125x32xf32, #tpu.memory_space<vmem>>) target(%dma_start3A_172 : memref<10240x32xf32, #tpu.memory_space<vmem_shared>>) offsets(%dma_start3A_169 : memref<125xi32, #tpu.memory_space<vmem>>) semaphore(%run_scoped3A_166 : memref<!tpu.dma_semaphore, #tpu.memory_space<semaphore_mem>>) {add = true}
        %dma_wait3A_173 = arith.constant 0 : i32
        %dma_wait3A_174 = tpu.memref_slice %arg9[%mul3A_119, %dma_wait3A_173] : memref<80x125xi32, #tpu.memory_space<vmem>> -> memref<1x125xi32, #tpu.memory_space<vmem>>
        %dma_wait3A_175 = tpu.memref_squeeze %dma_wait3A_174 : memref<1x125xi32, #tpu.memory_space<vmem>> -> memref<125xi32, #tpu.memory_space<vmem>>
        %dma_wait3A_176 = arith.constant 0 : i32
        %dma_wait3A_177 = arith.constant 0 : i32
        %dma_wait3A_178 = tpu.memref_slice %arg13[%dma_wait3A_176, %dma_wait3A_177] : memref<10240x32xf32, #tpu.memory_space<vmem_shared>> -> memref<10240x32xf32, #tpu.memory_space<vmem_shared>>
        tpu.wait_indirect_dma semaphore(%run_scoped3A_166 : memref<!tpu.dma_semaphore, #tpu.memory_space<semaphore_mem>>) src(%arg10 : memref<125x32xf32, #tpu.memory_space<vmem>>) dst(%dma_wait3A_178 : memref<10240x32xf32, #tpu.memory_space<vmem_shared>>)
        tpu.yield
      }) : () -> ()
      %dma_start3A_126 = arith.constant 0 : i32
      %dma_start3A_127 = tpu.memref_slice %arg16[%dma_start3A_126] : memref<128xf32, #tpu.memory_space<vmem>> -> memref<125xf32, #tpu.memory_space<vmem>>
      %dma_start3A_128 = arith.constant 0 : i32
      %dma_start3A_129 = tpu.memref_slice %arg9[%mul3A_119, %dma_start3A_128] : memref<80x125xi32, #tpu.memory_space<vmem>> -> memref<1x125xi32, #tpu.memory_space<vmem>>
      %dma_start3A_130 = tpu.memref_squeeze %dma_start3A_129 : memref<1x125xi32, #tpu.memory_space<vmem>> -> memref<125xi32, #tpu.memory_space<vmem>>
      %dma_start3A_131 = arith.constant 0 : i32
      %dma_start3A_132 = tpu.memref_slice %arg17[%dma_start3A_131] : memref<10240xf32, #tpu.memory_space<vmem_shared>> -> memref<10240xf32, #tpu.memory_space<vmem_shared>>
      tpu.enqueue_indirect_dma source(%dma_start3A_127 : memref<125xf32, #tpu.memory_space<vmem>>) target(%dma_start3A_132 : memref<10240xf32, #tpu.memory_space<vmem_shared>>) offsets(%dma_start3A_130 : memref<125xi32, #tpu.memory_space<vmem>>) semaphore(%arg18 : memref<!tpu.dma_semaphore, #tpu.memory_space<semaphore_mem>>) {add = true}
      %add3A_133 = arith.constant 2 : i32
      %add3A_134 = arith.addi %mul3A_119, %add3A_133 : i32
      %dma_start3A_135 = arith.constant 0 : i32
      %dma_start3A_136 = tpu.memref_slice %arg8[%add3A_134, %dma_start3A_135] : memref<80x125xi32, #tpu.memory_space<vmem>> -> memref<1x125xi32, #tpu.memory_space<vmem>>
      %dma_start3A_137 = tpu.memref_squeeze %dma_start3A_136 : memref<1x125xi32, #tpu.memory_space<vmem>> -> memref<125xi32, #tpu.memory_space<vmem>>
      %dma_start3A_138 = arith.constant 0 : i32
      %dma_start3A_139 = arith.constant 0 : i32
      %dma_start3A_140 = tpu.memref_slice %arg12[%dma_start3A_138, %dma_start3A_139] : memref<10240x32xf32, #tpu.memory_space<vmem_shared>> -> memref<10240x32xf32, #tpu.memory_space<vmem_shared>>
      tpu.enqueue_indirect_dma source(%dma_start3A_140 : memref<10240x32xf32, #tpu.memory_space<vmem_shared>>) target(%arg10 : memref<125x32xf32, #tpu.memory_space<vmem>>) offsets(%dma_start3A_137 : memref<125xi32, #tpu.memory_space<vmem>>) semaphore(%arg14 : memref<!tpu.dma_semaphore, #tpu.memory_space<semaphore_mem>>)
      %add3A_141 = arith.constant 1 : i32
      %add3A_142 = arith.addi %mul3A_119, %add3A_141 : i32
      %dma_wait3A_143 = arith.constant 0 : i32
      %dma_wait3A_144 = tpu.memref_slice %arg8[%add3A_142, %dma_wait3A_143] : memref<80x125xi32, #tpu.memory_space<vmem>> -> memref<1x125xi32, #tpu.memory_space<vmem>>
      %dma_wait3A_145 = tpu.memref_squeeze %dma_wait3A_144 : memref<1x125xi32, #tpu.memory_space<vmem>> -> memref<125xi32, #tpu.memory_space<vmem>>
      %dma_wait3A_146 = arith.constant 0 : i32
      %dma_wait3A_147 = arith.constant 0 : i32
      %dma_wait3A_148 = tpu.memref_slice %arg12[%dma_wait3A_146, %dma_wait3A_147] : memref<10240x32xf32, #tpu.memory_space<vmem_shared>> -> memref<10240x32xf32, #tpu.memory_space<vmem_shared>>
      tpu.wait_indirect_dma semaphore(%arg15 : memref<!tpu.dma_semaphore, #tpu.memory_space<semaphore_mem>>) src(%dma_wait3A_148 : memref<10240x32xf32, #tpu.memory_space<vmem_shared>>) dst(%arg11 : memref<125x32xf32, #tpu.memory_space<vmem>>)
      %add3A_149 = arith.constant 1 : i32
      %add3A_150 = arith.addi %mul3A_119, %add3A_149 : i32
      "tpu.region"() ({
        %run_scoped3A_166 = tpu.sem_alloc : memref<!tpu.dma_semaphore, #tpu.memory_space<semaphore_mem>>
        %dma_start3A_167 = arith.constant 0 : i32
        %dma_start3A_168 = tpu.memref_slice %arg9[%add3A_150, %dma_start3A_167] : memref<80x125xi32, #tpu.memory_space<vmem>> -> memref<1x125xi32, #tpu.memory_space<vmem>>
        %dma_start3A_169 = tpu.memref_squeeze %dma_start3A_168 : memref<1x125xi32, #tpu.memory_space<vmem>> -> memref<125xi32, #tpu.memory_space<vmem>>
        %dma_start3A_170 = arith.constant 0 : i32
        %dma_start3A_171 = arith.constant 0 : i32
        %dma_start3A_172 = tpu.memref_slice %arg13[%dma_start3A_170, %dma_start3A_171] : memref<10240x32xf32, #tpu.memory_space<vmem_shared>> -> memref<10240x32xf32, #tpu.memory_space<vmem_shared>>
        tpu.enqueue_indirect_dma source(%arg11 : memref<125x32xf32, #tpu.memory_space<vmem>>) target(%dma_start3A_172 : memref<10240x32xf32, #tpu.memory_space<vmem_shared>>) offsets(%dma_start3A_169 : memref<125xi32, #tpu.memory_space<vmem>>) semaphore(%run_scoped3A_166 : memref<!tpu.dma_semaphore, #tpu.memory_space<semaphore_mem>>) {add = true}
        %dma_wait3A_173 = arith.constant 0 : i32
        %dma_wait3A_174 = tpu.memref_slice %arg9[%add3A_150, %dma_wait3A_173] : memref<80x125xi32, #tpu.memory_space<vmem>> -> memref<1x125xi32, #tpu.memory_space<vmem>>
        %dma_wait3A_175 = tpu.memref_squeeze %dma_wait3A_174 : memref<1x125xi32, #tpu.memory_space<vmem>> -> memref<125xi32, #tpu.memory_space<vmem>>
        %dma_wait3A_176 = arith.constant 0 : i32
        %dma_wait3A_177 = arith.constant 0 : i32
        %dma_wait3A_178 = tpu.memref_slice %arg13[%dma_wait3A_176, %dma_wait3A_177] : memref<10240x32xf32, #tpu.memory_space<vmem_shared>> -> memref<10240x32xf32, #tpu.memory_space<vmem_shared>>
        tpu.wait_indirect_dma semaphore(%run_scoped3A_166 : memref<!tpu.dma_semaphore, #tpu.memory_space<semaphore_mem>>) src(%arg11 : memref<125x32xf32, #tpu.memory_space<vmem>>) dst(%dma_wait3A_178 : memref<10240x32xf32, #tpu.memory_space<vmem_shared>>)
        tpu.yield
      }) : () -> ()
      %dma_start3A_151 = arith.constant 0 : i32
      %dma_start3A_152 = tpu.memref_slice %arg16[%dma_start3A_151] : memref<128xf32, #tpu.memory_space<vmem>> -> memref<125xf32, #tpu.memory_space<vmem>>
      %dma_start3A_153 = arith.constant 0 : i32
      %dma_start3A_154 = tpu.memref_slice %arg9[%add3A_150, %dma_start3A_153] : memref<80x125xi32, #tpu.memory_space<vmem>> -> memref<1x125xi32, #tpu.memory_space<vmem>>
      %dma_start3A_155 = tpu.memref_squeeze %dma_start3A_154 : memref<1x125xi32, #tpu.memory_space<vmem>> -> memref<125xi32, #tpu.memory_space<vmem>>
      %dma_start3A_156 = arith.constant 0 : i32
      %dma_start3A_157 = tpu.memref_slice %arg17[%dma_start3A_156] : memref<10240xf32, #tpu.memory_space<vmem_shared>> -> memref<10240xf32, #tpu.memory_space<vmem_shared>>
      tpu.enqueue_indirect_dma source(%dma_start3A_152 : memref<125xf32, #tpu.memory_space<vmem>>) target(%dma_start3A_157 : memref<10240xf32, #tpu.memory_space<vmem_shared>>) offsets(%dma_start3A_155 : memref<125xi32, #tpu.memory_space<vmem>>) semaphore(%arg18 : memref<!tpu.dma_semaphore, #tpu.memory_space<semaphore_mem>>) {add = true}
      %add3A_158 = arith.constant 3 : i32
      %add3A_159 = arith.addi %mul3A_119, %add3A_158 : i32
      %dma_start3A_160 = arith.constant 0 : i32
      %dma_start3A_161 = tpu.memref_slice %arg8[%add3A_159, %dma_start3A_160] : memref<80x125xi32, #tpu.memory_space<vmem>> -> memref<1x125xi32, #tpu.memory_space<vmem>>
      %dma_start3A_162 = tpu.memref_squeeze %dma_start3A_161 : memref<1x125xi32, #tpu.memory_space<vmem>> -> memref<125xi32, #tpu.memory_space<vmem>>
      %dma_start3A_163 = arith.constant 0 : i32
      %dma_start3A_164 = arith.constant 0 : i32
      %dma_start3A_165 = tpu.memref_slice %arg12[%dma_start3A_163, %dma_start3A_164] : memref<10240x32xf32, #tpu.memory_space<vmem_shared>> -> memref<10240x32xf32, #tpu.memory_space<vmem_shared>>
      tpu.enqueue_indirect_dma source(%dma_start3A_165 : memref<10240x32xf32, #tpu.memory_space<vmem_shared>>) target(%arg11 : memref<125x32xf32, #tpu.memory_space<vmem>>) offsets(%dma_start3A_162 : memref<125xi32, #tpu.memory_space<vmem>>) semaphore(%arg15 : memref<!tpu.dma_semaphore, #tpu.memory_space<semaphore_mem>>)
    }
    %scan3A_77 = arith.constant 39 : i32
    %dma_wait3A_78 = arith.constant 78 : i32
    %dma_wait3A_79 = arith.constant 0 : i32
    %dma_wait3A_80 = tpu.memref_slice %arg8[%dma_wait3A_78, %dma_wait3A_79] : memref<80x125xi32, #tpu.memory_space<vmem>> -> memref<1x125xi32, #tpu.memory_space<vmem>>
    %dma_wait3A_81 = tpu.memref_squeeze %dma_wait3A_80 : memref<1x125xi32, #tpu.memory_space<vmem>> -> memref<125xi32, #tpu.memory_space<vmem>>
    %dma_wait3A_82 = arith.constant 0 : i32
    %dma_wait3A_83 = arith.constant 0 : i32
    %dma_wait3A_84 = tpu.memref_slice %arg12[%dma_wait3A_82, %dma_wait3A_83] : memref<10240x32xf32, #tpu.memory_space<vmem_shared>> -> memref<10240x32xf32, #tpu.memory_space<vmem_shared>>
    tpu.wait_indirect_dma semaphore(%arg14 : memref<!tpu.dma_semaphore, #tpu.memory_space<semaphore_mem>>) src(%dma_wait3A_84 : memref<10240x32xf32, #tpu.memory_space<vmem_shared>>) dst(%arg10 : memref<125x32xf32, #tpu.memory_space<vmem>>)
    %run_scoped3A_85 = arith.constant 78 : i32
    "tpu.region"() ({
      %run_scoped3A_117 = tpu.sem_alloc : memref<!tpu.dma_semaphore, #tpu.memory_space<semaphore_mem>>
      %dma_start3A_118 = arith.constant 0 : i32
      %dma_start3A_119 = tpu.memref_slice %arg9[%run_scoped3A_85, %dma_start3A_118] : memref<80x125xi32, #tpu.memory_space<vmem>> -> memref<1x125xi32, #tpu.memory_space<vmem>>
      %dma_start3A_120 = tpu.memref_squeeze %dma_start3A_119 : memref<1x125xi32, #tpu.memory_space<vmem>> -> memref<125xi32, #tpu.memory_space<vmem>>
      %dma_start3A_121 = arith.constant 0 : i32
      %dma_start3A_122 = arith.constant 0 : i32
      %dma_start3A_123 = tpu.memref_slice %arg13[%dma_start3A_121, %dma_start3A_122] : memref<10240x32xf32, #tpu.memory_space<vmem_shared>> -> memref<10240x32xf32, #tpu.memory_space<vmem_shared>>
      tpu.enqueue_indirect_dma source(%arg10 : memref<125x32xf32, #tpu.memory_space<vmem>>) target(%dma_start3A_123 : memref<10240x32xf32, #tpu.memory_space<vmem_shared>>) offsets(%dma_start3A_120 : memref<125xi32, #tpu.memory_space<vmem>>) semaphore(%run_scoped3A_117 : memref<!tpu.dma_semaphore, #tpu.memory_space<semaphore_mem>>) {add = true}
      %dma_wait3A_124 = arith.constant 0 : i32
      %dma_wait3A_125 = tpu.memref_slice %arg9[%run_scoped3A_85, %dma_wait3A_124] : memref<80x125xi32, #tpu.memory_space<vmem>> -> memref<1x125xi32, #tpu.memory_space<vmem>>
      %dma_wait3A_126 = tpu.memref_squeeze %dma_wait3A_125 : memref<1x125xi32, #tpu.memory_space<vmem>> -> memref<125xi32, #tpu.memory_space<vmem>>
      %dma_wait3A_127 = arith.constant 0 : i32
      %dma_wait3A_128 = arith.constant 0 : i32
      %dma_wait3A_129 = tpu.memref_slice %arg13[%dma_wait3A_127, %dma_wait3A_128] : memref<10240x32xf32, #tpu.memory_space<vmem_shared>> -> memref<10240x32xf32, #tpu.memory_space<vmem_shared>>
      tpu.wait_indirect_dma semaphore(%run_scoped3A_117 : memref<!tpu.dma_semaphore, #tpu.memory_space<semaphore_mem>>) src(%arg10 : memref<125x32xf32, #tpu.memory_space<vmem>>) dst(%dma_wait3A_129 : memref<10240x32xf32, #tpu.memory_space<vmem_shared>>)
      tpu.yield
    }) : () -> ()
    %dma_start3A_86 = arith.constant 78 : i32
    %dma_start3A_87 = arith.constant 0 : i32
    %dma_start3A_88 = tpu.memref_slice %arg16[%dma_start3A_87] : memref<128xf32, #tpu.memory_space<vmem>> -> memref<125xf32, #tpu.memory_space<vmem>>
    %dma_start3A_89 = arith.constant 0 : i32
    %dma_start3A_90 = tpu.memref_slice %arg9[%dma_start3A_86, %dma_start3A_89] : memref<80x125xi32, #tpu.memory_space<vmem>> -> memref<1x125xi32, #tpu.memory_space<vmem>>
    %dma_start3A_91 = tpu.memref_squeeze %dma_start3A_90 : memref<1x125xi32, #tpu.memory_space<vmem>> -> memref<125xi32, #tpu.memory_space<vmem>>
    %dma_start3A_92 = arith.constant 0 : i32
    %dma_start3A_93 = tpu.memref_slice %arg17[%dma_start3A_92] : memref<10240xf32, #tpu.memory_space<vmem_shared>> -> memref<10240xf32, #tpu.memory_space<vmem_shared>>
    tpu.enqueue_indirect_dma source(%dma_start3A_88 : memref<125xf32, #tpu.memory_space<vmem>>) target(%dma_start3A_93 : memref<10240xf32, #tpu.memory_space<vmem_shared>>) offsets(%dma_start3A_91 : memref<125xi32, #tpu.memory_space<vmem>>) semaphore(%arg18 : memref<!tpu.dma_semaphore, #tpu.memory_space<semaphore_mem>>) {add = true}
    %dma_wait3A_94 = arith.constant 79 : i32
    %dma_wait3A_95 = arith.constant 0 : i32
    %dma_wait3A_96 = tpu.memref_slice %arg8[%dma_wait3A_94, %dma_wait3A_95] : memref<80x125xi32, #tpu.memory_space<vmem>> -> memref<1x125xi32, #tpu.memory_space<vmem>>
    %dma_wait3A_97 = tpu.memref_squeeze %dma_wait3A_96 : memref<1x125xi32, #tpu.memory_space<vmem>> -> memref<125xi32, #tpu.memory_space<vmem>>
    %dma_wait3A_98 = arith.constant 0 : i32
    %dma_wait3A_99 = arith.constant 0 : i32
    %dma_wait3A_100 = tpu.memref_slice %arg12[%dma_wait3A_98, %dma_wait3A_99] : memref<10240x32xf32, #tpu.memory_space<vmem_shared>> -> memref<10240x32xf32, #tpu.memory_space<vmem_shared>>
    tpu.wait_indirect_dma semaphore(%arg15 : memref<!tpu.dma_semaphore, #tpu.memory_space<semaphore_mem>>) src(%dma_wait3A_100 : memref<10240x32xf32, #tpu.memory_space<vmem_shared>>) dst(%arg11 : memref<125x32xf32, #tpu.memory_space<vmem>>)
    %run_scoped3A_101 = arith.constant 79 : i32
    "tpu.region"() ({
      %run_scoped3A_117 = tpu.sem_alloc : memref<!tpu.dma_semaphore, #tpu.memory_space<semaphore_mem>>
      %dma_start3A_118 = arith.constant 0 : i32
      %dma_start3A_119 = tpu.memref_slice %arg9[%run_scoped3A_101, %dma_start3A_118] : memref<80x125xi32, #tpu.memory_space<vmem>> -> memref<1x125xi32, #tpu.memory_space<vmem>>
      %dma_start3A_120 = tpu.memref_squeeze %dma_start3A_119 : memref<1x125xi32, #tpu.memory_space<vmem>> -> memref<125xi32, #tpu.memory_space<vmem>>
      %dma_start3A_121 = arith.constant 0 : i32
      %dma_start3A_122 = arith.constant 0 : i32
      %dma_start3A_123 = tpu.memref_slice %arg13[%dma_start3A_121, %dma_start3A_122] : memref<10240x32xf32, #tpu.memory_space<vmem_shared>> -> memref<10240x32xf32, #tpu.memory_space<vmem_shared>>
      tpu.enqueue_indirect_dma source(%arg11 : memref<125x32xf32, #tpu.memory_space<vmem>>) target(%dma_start3A_123 : memref<10240x32xf32, #tpu.memory_space<vmem_shared>>) offsets(%dma_start3A_120 : memref<125xi32, #tpu.memory_space<vmem>>) semaphore(%run_scoped3A_117 : memref<!tpu.dma_semaphore, #tpu.memory_space<semaphore_mem>>) {add = true}
      %dma_wait3A_124 = arith.constant 0 : i32
      %dma_wait3A_125 = tpu.memref_slice %arg9[%run_scoped3A_101, %dma_wait3A_124] : memref<80x125xi32, #tpu.memory_space<vmem>> -> memref<1x125xi32, #tpu.memory_space<vmem>>
      %dma_wait3A_126 = tpu.memref_squeeze %dma_wait3A_125 : memref<1x125xi32, #tpu.memory_space<vmem>> -> memref<125xi32, #tpu.memory_space<vmem>>
      %dma_wait3A_127 = arith.constant 0 : i32
      %dma_wait3A_128 = arith.constant 0 : i32
      %dma_wait3A_129 = tpu.memref_slice %arg13[%dma_wait3A_127, %dma_wait3A_128] : memref<10240x32xf32, #tpu.memory_space<vmem_shared>> -> memref<10240x32xf32, #tpu.memory_space<vmem_shared>>
      tpu.wait_indirect_dma semaphore(%run_scoped3A_117 : memref<!tpu.dma_semaphore, #tpu.memory_space<semaphore_mem>>) src(%arg11 : memref<125x32xf32, #tpu.memory_space<vmem>>) dst(%dma_wait3A_129 : memref<10240x32xf32, #tpu.memory_space<vmem_shared>>)
      tpu.yield
    }) : () -> ()
    %dma_start3A_102 = arith.constant 79 : i32
    %dma_start3A_103 = arith.constant 0 : i32
    %dma_start3A_104 = tpu.memref_slice %arg16[%dma_start3A_103] : memref<128xf32, #tpu.memory_space<vmem>> -> memref<125xf32, #tpu.memory_space<vmem>>
    %dma_start3A_105 = arith.constant 0 : i32
    %dma_start3A_106 = tpu.memref_slice %arg9[%dma_start3A_102, %dma_start3A_105] : memref<80x125xi32, #tpu.memory_space<vmem>> -> memref<1x125xi32, #tpu.memory_space<vmem>>
    %dma_start3A_107 = tpu.memref_squeeze %dma_start3A_106 : memref<1x125xi32, #tpu.memory_space<vmem>> -> memref<125xi32, #tpu.memory_space<vmem>>
    %dma_start3A_108 = arith.constant 0 : i32
    %dma_start3A_109 = tpu.memref_slice %arg17[%dma_start3A_108] : memref<10240xf32, #tpu.memory_space<vmem_shared>> -> memref<10240xf32, #tpu.memory_space<vmem_shared>>
    tpu.enqueue_indirect_dma source(%dma_start3A_104 : memref<125xf32, #tpu.memory_space<vmem>>) target(%dma_start3A_109 : memref<10240xf32, #tpu.memory_space<vmem_shared>>) offsets(%dma_start3A_107 : memref<125xi32, #tpu.memory_space<vmem>>) semaphore(%arg18 : memref<!tpu.dma_semaphore, #tpu.memory_space<semaphore_mem>>) {add = true}
    %scan3A_110 = arith.constant 0 : i32
    %scan3A_111 = arith.constant 0 : i32
    %scan3A_112 = arith.constant 80 : i32
    %scan3A_113 = arith.addi %scan3A_111, %scan3A_112 : i32
    %scan3A_114 = arith.constant 1 : i32
    scf.for %scan3A_117 = %scan3A_111 to %scan3A_113 step %scan3A_114  : i32 {
      %dma_wait3A_118 = arith.constant 0 : i32
      %dma_wait3A_119 = tpu.memref_slice %arg16[%dma_wait3A_118] : memref<128xf32, #tpu.memory_space<vmem>> -> memref<125xf32, #tpu.memory_space<vmem>>
      %dma_wait3A_120 = arith.constant 0 : i32
      %dma_wait3A_121 = tpu.memref_slice %arg9[%scan3A_117, %dma_wait3A_120] : memref<80x125xi32, #tpu.memory_space<vmem>> -> memref<1x125xi32, #tpu.memory_space<vmem>>
      %dma_wait3A_122 = tpu.memref_squeeze %dma_wait3A_121 : memref<1x125xi32, #tpu.memory_space<vmem>> -> memref<125xi32, #tpu.memory_space<vmem>>
      %dma_wait3A_123 = arith.constant 0 : i32
      %dma_wait3A_124 = tpu.memref_slice %arg17[%dma_wait3A_123] : memref<10240xf32, #tpu.memory_space<vmem_shared>> -> memref<10240xf32, #tpu.memory_space<vmem_shared>>
      tpu.wait_indirect_dma semaphore(%arg18 : memref<!tpu.dma_semaphore, #tpu.memory_space<semaphore_mem>>) src(%dma_wait3A_119 : memref<125xf32, #tpu.memory_space<vmem>>) dst(%dma_wait3A_124 : memref<10240xf32, #tpu.memory_space<vmem_shared>>)
    }
    %scan3A_115 = arith.constant 80 : i32
    %barrier3A_116 = arith.constant 0 : index
    tpu.barrier barrier_id(%barrier3A_116)
    "tpu.region"() ({
      %run_scoped3A_117 = tpu.sem_alloc : memref<!tpu.dma_semaphore, #tpu.memory_space<semaphore_mem>>
      %dma_start3A_118 = arith.constant 0 : i32
      %dma_start3A_119 = tpu.memref_slice %arg6[%arg0, %multiple_of3A, %dma_start3A_118] : memref<2x10240x32xf32, #tpu.memory_space<hbm>> -> memref<1x640x32xf32, #tpu.memory_space<hbm>>
      %dma_start3A_120 = tpu.memref_squeeze %dma_start3A_119 : memref<1x640x32xf32, #tpu.memory_space<hbm>> -> memref<640x32xf32, #tpu.memory_space<hbm>>
      %dma_start3A_121 = arith.constant 0 : i32
      %dma_start3A_122 = tpu.memref_slice %arg13[%multiple_of3A, %dma_start3A_121] : memref<10240x32xf32, #tpu.memory_space<vmem_shared>> -> memref<640x32xf32, #tpu.memory_space<vmem_shared>>
      tpu.enqueue_dma source(%dma_start3A_122 : memref<640x32xf32, #tpu.memory_space<vmem_shared>>) target(%dma_start3A_120 : memref<640x32xf32, #tpu.memory_space<hbm>>) target_semaphore(%run_scoped3A_117 : memref<!tpu.dma_semaphore, #tpu.memory_space<semaphore_mem>>)
      %dma_wait3A_123 = arith.constant 0 : i32
      %dma_wait3A_124 = tpu.memref_slice %arg6[%arg0, %multiple_of3A, %dma_wait3A_123] : memref<2x10240x32xf32, #tpu.memory_space<hbm>> -> memref<1x640x32xf32, #tpu.memory_space<hbm>>
      %dma_wait3A_125 = tpu.memref_squeeze %dma_wait3A_124 : memref<1x640x32xf32, #tpu.memory_space<hbm>> -> memref<640x32xf32, #tpu.memory_space<hbm>>
      %dma_wait3A_126 = arith.constant 0 : i32
      %dma_wait3A_127 = tpu.memref_slice %arg13[%multiple_of3A, %dma_wait3A_126] : memref<10240x32xf32, #tpu.memory_space<vmem_shared>> -> memref<640x32xf32, #tpu.memory_space<vmem_shared>>
      tpu.wait_dma2 semaphore(%run_scoped3A_117 : memref<!tpu.dma_semaphore, #tpu.memory_space<semaphore_mem>>) src(%dma_wait3A_127 : memref<640x32xf32, #tpu.memory_space<vmem_shared>>) dst(%dma_wait3A_125 : memref<640x32xf32, #tpu.memory_space<hbm>>)
      tpu.yield
    }) : () -> ()
    "tpu.region"() ({
      %run_scoped3A_117 = tpu.sem_alloc : memref<!tpu.dma_semaphore, #tpu.memory_space<semaphore_mem>>
      %dma_start3A_118 = tpu.memref_slice %arg7[%arg0, %multiple_of3A] : memref<2x10240xf32, #tpu.memory_space<hbm>> -> memref<1x640xf32, #tpu.memory_space<hbm>>
      %dma_start3A_119 = tpu.memref_squeeze %dma_start3A_118 : memref<1x640xf32, #tpu.memory_space<hbm>> -> memref<640xf32, #tpu.memory_space<hbm>>
      %dma_start3A_120 = tpu.memref_slice %arg17[%multiple_of3A] : memref<10240xf32, #tpu.memory_space<vmem_shared>> -> memref<640xf32, #tpu.memory_space<vmem_shared>>
      tpu.enqueue_dma source(%dma_start3A_120 : memref<640xf32, #tpu.memory_space<vmem_shared>>) target(%dma_start3A_119 : memref<640xf32, #tpu.memory_space<hbm>>) target_semaphore(%run_scoped3A_117 : memref<!tpu.dma_semaphore, #tpu.memory_space<semaphore_mem>>)
      %dma_wait3A_121 = tpu.memref_slice %arg7[%arg0, %multiple_of3A] : memref<2x10240xf32, #tpu.memory_space<hbm>> -> memref<1x640xf32, #tpu.memory_space<hbm>>
      %dma_wait3A_122 = tpu.memref_squeeze %dma_wait3A_121 : memref<1x640xf32, #tpu.memory_space<hbm>> -> memref<640xf32, #tpu.memory_space<hbm>>
      %dma_wait3A_123 = tpu.memref_slice %arg17[%multiple_of3A] : memref<10240xf32, #tpu.memory_space<vmem_shared>> -> memref<640xf32, #tpu.memory_space<vmem_shared>>
      tpu.wait_dma2 semaphore(%run_scoped3A_117 : memref<!tpu.dma_semaphore, #tpu.memory_space<semaphore_mem>>) src(%dma_wait3A_123 : memref<640xf32, #tpu.memory_space<vmem_shared>>) dst(%dma_wait3A_122 : memref<640xf32, #tpu.memory_space<hbm>>)
      tpu.yield
    }) : () -> ()
    return
  }
}

#map = affine_map<(d0, d1) -> (0, 0)>
#map1 = affine_map<(d0, d1) -> (0, 0, 0, 0)>
#map2 = affine_map<(d0, d1) -> (0, 0, 0)>
module attributes {stable_mosaic.version = 14 : i64} {
  func.func @body(%arg0: i32, %arg1: i32, %arg2: memref<10240x16xf32, #tpu.memory_space<hbm>>, %arg3: memref<2x32x80x125xi32, #tpu.memory_space<hbm>>, %arg4: memref<640x16xf32, #tpu.memory_space<hbm>>, %arg5: memref<2x10240x16xf32, #tpu.memory_space<hbm>>, %arg6: memref<80x125xi32, #tpu.memory_space<vmem>>, %arg7: memref<80x125xi32, #tpu.memory_space<vmem>>, %arg8: memref<125x16xf32, #tpu.memory_space<vmem>>, %arg9: memref<125x16xf32, #tpu.memory_space<vmem>>, %arg10: memref<10240x16xf32, #tpu.memory_space<vmem_shared>>, %arg11: memref<10240x16xf32, #tpu.memory_space<vmem_shared>>, %arg12: memref<!tpu.dma_semaphore, #tpu.memory_space<semaphore_mem>>, %arg13: memref<!tpu.dma_semaphore, #tpu.memory_space<semaphore_mem>>) attributes {dimension_semantics = [#tpu.dimension_semantics<core_parallel>, #tpu.dimension_semantics<subcore_parallel>], iteration_bounds = array<i64: 2, 16>, scalar_prefetch = 0 : i64, scratch_operands = 8 : i64, tpu.core_type = #tpu.core_type<sc_vector_subcore>, window_params = [{transform_indices = #map}, {transform_indices = #map1}, {transform_indices = #map}, {transform_indices = #map2}]} {
    %mul3A = arith.constant 16 : i32
    %mul3A_0 = arith.muli %arg0, %mul3A : i32
    %add3A = arith.addi %mul3A_0, %arg1 : i32
    %mul3A_1 = arith.constant 640 : i32
    %mul3A_2 = arith.muli %arg1, %mul3A_1 : i32
    %multiple_of3A = tpu.assume_multiple %mul3A_2, 8 : i32
    %dma_start3A = arith.constant 0 : i32
    %dma_start3A_3 = tpu.memref_slice %arg10[%multiple_of3A, %dma_start3A] : memref<10240x16xf32, #tpu.memory_space<vmem_shared>> -> memref<640x16xf32, #tpu.memory_space<vmem_shared>>
    %dma_start3A_4 = arith.constant 0 : i32
    %dma_start3A_5 = tpu.memref_slice %arg2[%multiple_of3A, %dma_start3A_4] : memref<10240x16xf32, #tpu.memory_space<hbm>> -> memref<640x16xf32, #tpu.memory_space<hbm>>
    tpu.enqueue_dma source(%dma_start3A_5 : memref<640x16xf32, #tpu.memory_space<hbm>>) target(%dma_start3A_3 : memref<640x16xf32, #tpu.memory_space<vmem_shared>>) target_semaphore(%arg12 : memref<!tpu.dma_semaphore, #tpu.memory_space<semaphore_mem>>)
    %dma_start3A_6 = arith.constant 0 : i32
    %dma_start3A_7 = arith.constant 0 : i32
    %dma_start3A_8 = arith.constant 0 : i32
    %dma_start3A_9 = tpu.memref_slice %arg3[%dma_start3A_6, %add3A, %dma_start3A_7, %dma_start3A_8] : memref<2x32x80x125xi32, #tpu.memory_space<hbm>> -> memref<1x1x80x125xi32, #tpu.memory_space<hbm>>
    %dma_start3A_10 = tpu.memref_squeeze %dma_start3A_9 : memref<1x1x80x125xi32, #tpu.memory_space<hbm>> -> memref<80x125xi32, #tpu.memory_space<hbm>>
    %dma_start3A_11 = arith.constant 0 : i32
    %dma_start3A_12 = arith.constant 0 : i32
    %dma_start3A_13 = tpu.memref_slice %arg3[%dma_start3A_6, %add3A, %dma_start3A_11, %dma_start3A_12] : memref<2x32x80x125xi32, #tpu.memory_space<hbm>> -> memref<1x1x80x125xi32, #tpu.memory_space<hbm>>
    %dma_start3A_14 = tpu.memref_squeeze %dma_start3A_13 : memref<1x1x80x125xi32, #tpu.memory_space<hbm>> -> memref<80x125xi32, #tpu.memory_space<hbm>>
    tpu.enqueue_dma source(%dma_start3A_14 : memref<80x125xi32, #tpu.memory_space<hbm>>) target(%arg6 : memref<80x125xi32, #tpu.memory_space<vmem>>) target_semaphore(%arg13 : memref<!tpu.dma_semaphore, #tpu.memory_space<semaphore_mem>>)
    "tpu.region"() ({
      %run_scoped3A_63 = tpu.sem_alloc : memref<!tpu.dma_semaphore, #tpu.memory_space<semaphore_mem>>
      %dma_start3A_64 = arith.constant 0 : i32
      %dma_start3A_65 = tpu.memref_slice %arg11[%multiple_of3A, %dma_start3A_64] : memref<10240x16xf32, #tpu.memory_space<vmem_shared>> -> memref<640x16xf32, #tpu.memory_space<vmem_shared>>
      tpu.enqueue_dma source(%arg4 : memref<640x16xf32, #tpu.memory_space<hbm>>) target(%dma_start3A_65 : memref<640x16xf32, #tpu.memory_space<vmem_shared>>) target_semaphore(%run_scoped3A_63 : memref<!tpu.dma_semaphore, #tpu.memory_space<semaphore_mem>>)
      %dma_wait3A_66 = arith.constant 0 : i32
      %dma_wait3A_67 = tpu.memref_slice %arg11[%multiple_of3A, %dma_wait3A_66] : memref<10240x16xf32, #tpu.memory_space<vmem_shared>> -> memref<640x16xf32, #tpu.memory_space<vmem_shared>>
      tpu.wait_dma2 semaphore(%run_scoped3A_63 : memref<!tpu.dma_semaphore, #tpu.memory_space<semaphore_mem>>) src(%arg4 : memref<640x16xf32, #tpu.memory_space<hbm>>) dst(%dma_wait3A_67 : memref<640x16xf32, #tpu.memory_space<vmem_shared>>)
      tpu.yield
    }) : () -> ()
    %run_scoped3A = arith.constant 1 : i32
    "tpu.region"() ({
      %run_scoped3A_63 = tpu.sem_alloc : memref<!tpu.dma_semaphore, #tpu.memory_space<semaphore_mem>>
      %dma_start3A_64 = arith.constant 0 : i32
      %dma_start3A_65 = arith.constant 0 : i32
      %dma_start3A_66 = tpu.memref_slice %arg3[%run_scoped3A, %add3A, %dma_start3A_64, %dma_start3A_65] : memref<2x32x80x125xi32, #tpu.memory_space<hbm>> -> memref<1x1x80x125xi32, #tpu.memory_space<hbm>>
      %dma_start3A_67 = tpu.memref_squeeze %dma_start3A_66 : memref<1x1x80x125xi32, #tpu.memory_space<hbm>> -> memref<80x125xi32, #tpu.memory_space<hbm>>
      %dma_start3A_68 = arith.constant 0 : i32
      %dma_start3A_69 = arith.constant 0 : i32
      %dma_start3A_70 = tpu.memref_slice %arg3[%run_scoped3A, %add3A, %dma_start3A_68, %dma_start3A_69] : memref<2x32x80x125xi32, #tpu.memory_space<hbm>> -> memref<1x1x80x125xi32, #tpu.memory_space<hbm>>
      %dma_start3A_71 = tpu.memref_squeeze %dma_start3A_70 : memref<1x1x80x125xi32, #tpu.memory_space<hbm>> -> memref<80x125xi32, #tpu.memory_space<hbm>>
      tpu.enqueue_dma source(%dma_start3A_71 : memref<80x125xi32, #tpu.memory_space<hbm>>) target(%arg7 : memref<80x125xi32, #tpu.memory_space<vmem>>) target_semaphore(%run_scoped3A_63 : memref<!tpu.dma_semaphore, #tpu.memory_space<semaphore_mem>>)
      %dma_wait3A_72 = arith.constant 0 : i32
      %dma_wait3A_73 = arith.constant 0 : i32
      %dma_wait3A_74 = tpu.memref_slice %arg3[%run_scoped3A, %add3A, %dma_wait3A_72, %dma_wait3A_73] : memref<2x32x80x125xi32, #tpu.memory_space<hbm>> -> memref<1x1x80x125xi32, #tpu.memory_space<hbm>>
      %dma_wait3A_75 = tpu.memref_squeeze %dma_wait3A_74 : memref<1x1x80x125xi32, #tpu.memory_space<hbm>> -> memref<80x125xi32, #tpu.memory_space<hbm>>
      %dma_wait3A_76 = arith.constant 0 : i32
      %dma_wait3A_77 = arith.constant 0 : i32
      %dma_wait3A_78 = tpu.memref_slice %arg3[%run_scoped3A, %add3A, %dma_wait3A_76, %dma_wait3A_77] : memref<2x32x80x125xi32, #tpu.memory_space<hbm>> -> memref<1x1x80x125xi32, #tpu.memory_space<hbm>>
      %dma_wait3A_79 = tpu.memref_squeeze %dma_wait3A_78 : memref<1x1x80x125xi32, #tpu.memory_space<hbm>> -> memref<80x125xi32, #tpu.memory_space<hbm>>
      tpu.wait_dma2 semaphore(%run_scoped3A_63 : memref<!tpu.dma_semaphore, #tpu.memory_space<semaphore_mem>>) src(%dma_wait3A_79 : memref<80x125xi32, #tpu.memory_space<hbm>>) dst(%arg7 : memref<80x125xi32, #tpu.memory_space<vmem>>)
      tpu.yield
    }) : () -> ()
    %dma_wait3A = arith.constant 0 : i32
    %dma_wait3A_15 = tpu.memref_slice %arg10[%multiple_of3A, %dma_wait3A] : memref<10240x16xf32, #tpu.memory_space<vmem_shared>> -> memref<640x16xf32, #tpu.memory_space<vmem_shared>>
    %dma_wait3A_16 = arith.constant 0 : i32
    %dma_wait3A_17 = tpu.memref_slice %arg2[%multiple_of3A, %dma_wait3A_16] : memref<10240x16xf32, #tpu.memory_space<hbm>> -> memref<640x16xf32, #tpu.memory_space<hbm>>
    tpu.wait_dma2 semaphore(%arg12 : memref<!tpu.dma_semaphore, #tpu.memory_space<semaphore_mem>>) src(%dma_wait3A_17 : memref<640x16xf32, #tpu.memory_space<hbm>>) dst(%dma_wait3A_15 : memref<640x16xf32, #tpu.memory_space<vmem_shared>>)
    %dma_wait3A_18 = arith.constant 0 : i32
    %dma_wait3A_19 = arith.constant 0 : i32
    %dma_wait3A_20 = arith.constant 0 : i32
    %dma_wait3A_21 = tpu.memref_slice %arg3[%dma_wait3A_18, %add3A, %dma_wait3A_19, %dma_wait3A_20] : memref<2x32x80x125xi32, #tpu.memory_space<hbm>> -> memref<1x1x80x125xi32, #tpu.memory_space<hbm>>
    %dma_wait3A_22 = tpu.memref_squeeze %dma_wait3A_21 : memref<1x1x80x125xi32, #tpu.memory_space<hbm>> -> memref<80x125xi32, #tpu.memory_space<hbm>>
    %dma_wait3A_23 = arith.constant 0 : i32
    %dma_wait3A_24 = arith.constant 0 : i32
    %dma_wait3A_25 = tpu.memref_slice %arg3[%dma_wait3A_18, %add3A, %dma_wait3A_23, %dma_wait3A_24] : memref<2x32x80x125xi32, #tpu.memory_space<hbm>> -> memref<1x1x80x125xi32, #tpu.memory_space<hbm>>
    %dma_wait3A_26 = tpu.memref_squeeze %dma_wait3A_25 : memref<1x1x80x125xi32, #tpu.memory_space<hbm>> -> memref<80x125xi32, #tpu.memory_space<hbm>>
    tpu.wait_dma2 semaphore(%arg13 : memref<!tpu.dma_semaphore, #tpu.memory_space<semaphore_mem>>) src(%dma_wait3A_26 : memref<80x125xi32, #tpu.memory_space<hbm>>) dst(%arg6 : memref<80x125xi32, #tpu.memory_space<vmem>>)
    %barrier3A = arith.constant 0 : index
    tpu.barrier barrier_id(%barrier3A)
    %dma_start3A_27 = arith.constant 0 : i32
    %dma_start3A_28 = arith.constant 0 : i32
    %dma_start3A_29 = tpu.memref_slice %arg6[%dma_start3A_27, %dma_start3A_28] : memref<80x125xi32, #tpu.memory_space<vmem>> -> memref<1x125xi32, #tpu.memory_space<vmem>>
    %dma_start3A_30 = tpu.memref_squeeze %dma_start3A_29 : memref<1x125xi32, #tpu.memory_space<vmem>> -> memref<125xi32, #tpu.memory_space<vmem>>
    %dma_start3A_31 = arith.constant 0 : i32
    %dma_start3A_32 = arith.constant 0 : i32
    %dma_start3A_33 = tpu.memref_slice %arg10[%dma_start3A_31, %dma_start3A_32] : memref<10240x16xf32, #tpu.memory_space<vmem_shared>> -> memref<10240x16xf32, #tpu.memory_space<vmem_shared>>
    tpu.enqueue_indirect_dma source(%dma_start3A_33 : memref<10240x16xf32, #tpu.memory_space<vmem_shared>>) target(%arg8 : memref<125x16xf32, #tpu.memory_space<vmem>>) offsets(%dma_start3A_30 : memref<125xi32, #tpu.memory_space<vmem>>) semaphore(%arg12 : memref<!tpu.dma_semaphore, #tpu.memory_space<semaphore_mem>>)
    %dma_start3A_34 = arith.constant 1 : i32
    %dma_start3A_35 = arith.constant 0 : i32
    %dma_start3A_36 = tpu.memref_slice %arg6[%dma_start3A_34, %dma_start3A_35] : memref<80x125xi32, #tpu.memory_space<vmem>> -> memref<1x125xi32, #tpu.memory_space<vmem>>
    %dma_start3A_37 = tpu.memref_squeeze %dma_start3A_36 : memref<1x125xi32, #tpu.memory_space<vmem>> -> memref<125xi32, #tpu.memory_space<vmem>>
    %dma_start3A_38 = arith.constant 0 : i32
    %dma_start3A_39 = arith.constant 0 : i32
    %dma_start3A_40 = tpu.memref_slice %arg10[%dma_start3A_38, %dma_start3A_39] : memref<10240x16xf32, #tpu.memory_space<vmem_shared>> -> memref<10240x16xf32, #tpu.memory_space<vmem_shared>>
    tpu.enqueue_indirect_dma source(%dma_start3A_40 : memref<10240x16xf32, #tpu.memory_space<vmem_shared>>) target(%arg9 : memref<125x16xf32, #tpu.memory_space<vmem>>) offsets(%dma_start3A_37 : memref<125xi32, #tpu.memory_space<vmem>>) semaphore(%arg13 : memref<!tpu.dma_semaphore, #tpu.memory_space<semaphore_mem>>)
    %scan3A = arith.constant 0 : i32
    %scan3A_41 = arith.constant 0 : i32
    %scan3A_42 = arith.constant 39 : i32
    %scan3A_43 = arith.addi %scan3A_41, %scan3A_42 : i32
    %scan3A_44 = arith.constant 1 : i32
    scf.for %scan3A_63 = %scan3A_41 to %scan3A_43 step %scan3A_44  : i32 {
      %mul3A_64 = arith.constant 2 : i32
      %mul3A_65 = arith.muli %mul3A_64, %scan3A_63 : i32
      %dma_wait3A_66 = arith.constant 0 : i32
      %dma_wait3A_67 = tpu.memref_slice %arg6[%mul3A_65, %dma_wait3A_66] : memref<80x125xi32, #tpu.memory_space<vmem>> -> memref<1x125xi32, #tpu.memory_space<vmem>>
      %dma_wait3A_68 = tpu.memref_squeeze %dma_wait3A_67 : memref<1x125xi32, #tpu.memory_space<vmem>> -> memref<125xi32, #tpu.memory_space<vmem>>
      %dma_wait3A_69 = arith.constant 0 : i32
      %dma_wait3A_70 = arith.constant 0 : i32
      %dma_wait3A_71 = tpu.memref_slice %arg10[%dma_wait3A_69, %dma_wait3A_70] : memref<10240x16xf32, #tpu.memory_space<vmem_shared>> -> memref<10240x16xf32, #tpu.memory_space<vmem_shared>>
      tpu.wait_indirect_dma semaphore(%arg12 : memref<!tpu.dma_semaphore, #tpu.memory_space<semaphore_mem>>) src(%dma_wait3A_71 : memref<10240x16xf32, #tpu.memory_space<vmem_shared>>) dst(%arg8 : memref<125x16xf32, #tpu.memory_space<vmem>>)
      "tpu.region"() ({
        %run_scoped3A_98 = tpu.sem_alloc : memref<!tpu.dma_semaphore, #tpu.memory_space<semaphore_mem>>
        %dma_start3A_99 = arith.constant 0 : i32
        %dma_start3A_100 = tpu.memref_slice %arg7[%mul3A_65, %dma_start3A_99] : memref<80x125xi32, #tpu.memory_space<vmem>> -> memref<1x125xi32, #tpu.memory_space<vmem>>
        %dma_start3A_101 = tpu.memref_squeeze %dma_start3A_100 : memref<1x125xi32, #tpu.memory_space<vmem>> -> memref<125xi32, #tpu.memory_space<vmem>>
        %dma_start3A_102 = arith.constant 0 : i32
        %dma_start3A_103 = arith.constant 0 : i32
        %dma_start3A_104 = tpu.memref_slice %arg11[%dma_start3A_102, %dma_start3A_103] : memref<10240x16xf32, #tpu.memory_space<vmem_shared>> -> memref<10240x16xf32, #tpu.memory_space<vmem_shared>>
        tpu.enqueue_indirect_dma source(%arg8 : memref<125x16xf32, #tpu.memory_space<vmem>>) target(%dma_start3A_104 : memref<10240x16xf32, #tpu.memory_space<vmem_shared>>) offsets(%dma_start3A_101 : memref<125xi32, #tpu.memory_space<vmem>>) semaphore(%run_scoped3A_98 : memref<!tpu.dma_semaphore, #tpu.memory_space<semaphore_mem>>) {add = true}
        %dma_wait3A_105 = arith.constant 0 : i32
        %dma_wait3A_106 = tpu.memref_slice %arg7[%mul3A_65, %dma_wait3A_105] : memref<80x125xi32, #tpu.memory_space<vmem>> -> memref<1x125xi32, #tpu.memory_space<vmem>>
        %dma_wait3A_107 = tpu.memref_squeeze %dma_wait3A_106 : memref<1x125xi32, #tpu.memory_space<vmem>> -> memref<125xi32, #tpu.memory_space<vmem>>
        %dma_wait3A_108 = arith.constant 0 : i32
        %dma_wait3A_109 = arith.constant 0 : i32
        %dma_wait3A_110 = tpu.memref_slice %arg11[%dma_wait3A_108, %dma_wait3A_109] : memref<10240x16xf32, #tpu.memory_space<vmem_shared>> -> memref<10240x16xf32, #tpu.memory_space<vmem_shared>>
        tpu.wait_indirect_dma semaphore(%run_scoped3A_98 : memref<!tpu.dma_semaphore, #tpu.memory_space<semaphore_mem>>) src(%arg8 : memref<125x16xf32, #tpu.memory_space<vmem>>) dst(%dma_wait3A_110 : memref<10240x16xf32, #tpu.memory_space<vmem_shared>>)
        tpu.yield
      }) : () -> ()
      %add3A_72 = arith.constant 2 : i32
      %add3A_73 = arith.addi %mul3A_65, %add3A_72 : i32
      %dma_start3A_74 = arith.constant 0 : i32
      %dma_start3A_75 = tpu.memref_slice %arg6[%add3A_73, %dma_start3A_74] : memref<80x125xi32, #tpu.memory_space<vmem>> -> memref<1x125xi32, #tpu.memory_space<vmem>>
      %dma_start3A_76 = tpu.memref_squeeze %dma_start3A_75 : memref<1x125xi32, #tpu.memory_space<vmem>> -> memref<125xi32, #tpu.memory_space<vmem>>
      %dma_start3A_77 = arith.constant 0 : i32
      %dma_start3A_78 = arith.constant 0 : i32
      %dma_start3A_79 = tpu.memref_slice %arg10[%dma_start3A_77, %dma_start3A_78] : memref<10240x16xf32, #tpu.memory_space<vmem_shared>> -> memref<10240x16xf32, #tpu.memory_space<vmem_shared>>
      tpu.enqueue_indirect_dma source(%dma_start3A_79 : memref<10240x16xf32, #tpu.memory_space<vmem_shared>>) target(%arg8 : memref<125x16xf32, #tpu.memory_space<vmem>>) offsets(%dma_start3A_76 : memref<125xi32, #tpu.memory_space<vmem>>) semaphore(%arg12 : memref<!tpu.dma_semaphore, #tpu.memory_space<semaphore_mem>>)
      %add3A_80 = arith.constant 1 : i32
      %add3A_81 = arith.addi %mul3A_65, %add3A_80 : i32
      %dma_wait3A_82 = arith.constant 0 : i32
      %dma_wait3A_83 = tpu.memref_slice %arg6[%add3A_81, %dma_wait3A_82] : memref<80x125xi32, #tpu.memory_space<vmem>> -> memref<1x125xi32, #tpu.memory_space<vmem>>
      %dma_wait3A_84 = tpu.memref_squeeze %dma_wait3A_83 : memref<1x125xi32, #tpu.memory_space<vmem>> -> memref<125xi32, #tpu.memory_space<vmem>>
      %dma_wait3A_85 = arith.constant 0 : i32
      %dma_wait3A_86 = arith.constant 0 : i32
      %dma_wait3A_87 = tpu.memref_slice %arg10[%dma_wait3A_85, %dma_wait3A_86] : memref<10240x16xf32, #tpu.memory_space<vmem_shared>> -> memref<10240x16xf32, #tpu.memory_space<vmem_shared>>
      tpu.wait_indirect_dma semaphore(%arg13 : memref<!tpu.dma_semaphore, #tpu.memory_space<semaphore_mem>>) src(%dma_wait3A_87 : memref<10240x16xf32, #tpu.memory_space<vmem_shared>>) dst(%arg9 : memref<125x16xf32, #tpu.memory_space<vmem>>)
      %add3A_88 = arith.constant 1 : i32
      %add3A_89 = arith.addi %mul3A_65, %add3A_88 : i32
      "tpu.region"() ({
        %run_scoped3A_98 = tpu.sem_alloc : memref<!tpu.dma_semaphore, #tpu.memory_space<semaphore_mem>>
        %dma_start3A_99 = arith.constant 0 : i32
        %dma_start3A_100 = tpu.memref_slice %arg7[%add3A_89, %dma_start3A_99] : memref<80x125xi32, #tpu.memory_space<vmem>> -> memref<1x125xi32, #tpu.memory_space<vmem>>
        %dma_start3A_101 = tpu.memref_squeeze %dma_start3A_100 : memref<1x125xi32, #tpu.memory_space<vmem>> -> memref<125xi32, #tpu.memory_space<vmem>>
        %dma_start3A_102 = arith.constant 0 : i32
        %dma_start3A_103 = arith.constant 0 : i32
        %dma_start3A_104 = tpu.memref_slice %arg11[%dma_start3A_102, %dma_start3A_103] : memref<10240x16xf32, #tpu.memory_space<vmem_shared>> -> memref<10240x16xf32, #tpu.memory_space<vmem_shared>>
        tpu.enqueue_indirect_dma source(%arg9 : memref<125x16xf32, #tpu.memory_space<vmem>>) target(%dma_start3A_104 : memref<10240x16xf32, #tpu.memory_space<vmem_shared>>) offsets(%dma_start3A_101 : memref<125xi32, #tpu.memory_space<vmem>>) semaphore(%run_scoped3A_98 : memref<!tpu.dma_semaphore, #tpu.memory_space<semaphore_mem>>) {add = true}
        %dma_wait3A_105 = arith.constant 0 : i32
        %dma_wait3A_106 = tpu.memref_slice %arg7[%add3A_89, %dma_wait3A_105] : memref<80x125xi32, #tpu.memory_space<vmem>> -> memref<1x125xi32, #tpu.memory_space<vmem>>
        %dma_wait3A_107 = tpu.memref_squeeze %dma_wait3A_106 : memref<1x125xi32, #tpu.memory_space<vmem>> -> memref<125xi32, #tpu.memory_space<vmem>>
        %dma_wait3A_108 = arith.constant 0 : i32
        %dma_wait3A_109 = arith.constant 0 : i32
        %dma_wait3A_110 = tpu.memref_slice %arg11[%dma_wait3A_108, %dma_wait3A_109] : memref<10240x16xf32, #tpu.memory_space<vmem_shared>> -> memref<10240x16xf32, #tpu.memory_space<vmem_shared>>
        tpu.wait_indirect_dma semaphore(%run_scoped3A_98 : memref<!tpu.dma_semaphore, #tpu.memory_space<semaphore_mem>>) src(%arg9 : memref<125x16xf32, #tpu.memory_space<vmem>>) dst(%dma_wait3A_110 : memref<10240x16xf32, #tpu.memory_space<vmem_shared>>)
        tpu.yield
      }) : () -> ()
      %add3A_90 = arith.constant 3 : i32
      %add3A_91 = arith.addi %mul3A_65, %add3A_90 : i32
      %dma_start3A_92 = arith.constant 0 : i32
      %dma_start3A_93 = tpu.memref_slice %arg6[%add3A_91, %dma_start3A_92] : memref<80x125xi32, #tpu.memory_space<vmem>> -> memref<1x125xi32, #tpu.memory_space<vmem>>
      %dma_start3A_94 = tpu.memref_squeeze %dma_start3A_93 : memref<1x125xi32, #tpu.memory_space<vmem>> -> memref<125xi32, #tpu.memory_space<vmem>>
      %dma_start3A_95 = arith.constant 0 : i32
      %dma_start3A_96 = arith.constant 0 : i32
      %dma_start3A_97 = tpu.memref_slice %arg10[%dma_start3A_95, %dma_start3A_96] : memref<10240x16xf32, #tpu.memory_space<vmem_shared>> -> memref<10240x16xf32, #tpu.memory_space<vmem_shared>>
      tpu.enqueue_indirect_dma source(%dma_start3A_97 : memref<10240x16xf32, #tpu.memory_space<vmem_shared>>) target(%arg9 : memref<125x16xf32, #tpu.memory_space<vmem>>) offsets(%dma_start3A_94 : memref<125xi32, #tpu.memory_space<vmem>>) semaphore(%arg13 : memref<!tpu.dma_semaphore, #tpu.memory_space<semaphore_mem>>)
    }
    %scan3A_45 = arith.constant 39 : i32
    %dma_wait3A_46 = arith.constant 78 : i32
    %dma_wait3A_47 = arith.constant 0 : i32
    %dma_wait3A_48 = tpu.memref_slice %arg6[%dma_wait3A_46, %dma_wait3A_47] : memref<80x125xi32, #tpu.memory_space<vmem>> -> memref<1x125xi32, #tpu.memory_space<vmem>>
    %dma_wait3A_49 = tpu.memref_squeeze %dma_wait3A_48 : memref<1x125xi32, #tpu.memory_space<vmem>> -> memref<125xi32, #tpu.memory_space<vmem>>
    %dma_wait3A_50 = arith.constant 0 : i32
    %dma_wait3A_51 = arith.constant 0 : i32
    %dma_wait3A_52 = tpu.memref_slice %arg10[%dma_wait3A_50, %dma_wait3A_51] : memref<10240x16xf32, #tpu.memory_space<vmem_shared>> -> memref<10240x16xf32, #tpu.memory_space<vmem_shared>>
    tpu.wait_indirect_dma semaphore(%arg12 : memref<!tpu.dma_semaphore, #tpu.memory_space<semaphore_mem>>) src(%dma_wait3A_52 : memref<10240x16xf32, #tpu.memory_space<vmem_shared>>) dst(%arg8 : memref<125x16xf32, #tpu.memory_space<vmem>>)
    %run_scoped3A_53 = arith.constant 78 : i32
    "tpu.region"() ({
      %run_scoped3A_63 = tpu.sem_alloc : memref<!tpu.dma_semaphore, #tpu.memory_space<semaphore_mem>>
      %dma_start3A_64 = arith.constant 0 : i32
      %dma_start3A_65 = tpu.memref_slice %arg7[%run_scoped3A_53, %dma_start3A_64] : memref<80x125xi32, #tpu.memory_space<vmem>> -> memref<1x125xi32, #tpu.memory_space<vmem>>
      %dma_start3A_66 = tpu.memref_squeeze %dma_start3A_65 : memref<1x125xi32, #tpu.memory_space<vmem>> -> memref<125xi32, #tpu.memory_space<vmem>>
      %dma_start3A_67 = arith.constant 0 : i32
      %dma_start3A_68 = arith.constant 0 : i32
      %dma_start3A_69 = tpu.memref_slice %arg11[%dma_start3A_67, %dma_start3A_68] : memref<10240x16xf32, #tpu.memory_space<vmem_shared>> -> memref<10240x16xf32, #tpu.memory_space<vmem_shared>>
      tpu.enqueue_indirect_dma source(%arg8 : memref<125x16xf32, #tpu.memory_space<vmem>>) target(%dma_start3A_69 : memref<10240x16xf32, #tpu.memory_space<vmem_shared>>) offsets(%dma_start3A_66 : memref<125xi32, #tpu.memory_space<vmem>>) semaphore(%run_scoped3A_63 : memref<!tpu.dma_semaphore, #tpu.memory_space<semaphore_mem>>) {add = true}
      %dma_wait3A_70 = arith.constant 0 : i32
      %dma_wait3A_71 = tpu.memref_slice %arg7[%run_scoped3A_53, %dma_wait3A_70] : memref<80x125xi32, #tpu.memory_space<vmem>> -> memref<1x125xi32, #tpu.memory_space<vmem>>
      %dma_wait3A_72 = tpu.memref_squeeze %dma_wait3A_71 : memref<1x125xi32, #tpu.memory_space<vmem>> -> memref<125xi32, #tpu.memory_space<vmem>>
      %dma_wait3A_73 = arith.constant 0 : i32
      %dma_wait3A_74 = arith.constant 0 : i32
      %dma_wait3A_75 = tpu.memref_slice %arg11[%dma_wait3A_73, %dma_wait3A_74] : memref<10240x16xf32, #tpu.memory_space<vmem_shared>> -> memref<10240x16xf32, #tpu.memory_space<vmem_shared>>
      tpu.wait_indirect_dma semaphore(%run_scoped3A_63 : memref<!tpu.dma_semaphore, #tpu.memory_space<semaphore_mem>>) src(%arg8 : memref<125x16xf32, #tpu.memory_space<vmem>>) dst(%dma_wait3A_75 : memref<10240x16xf32, #tpu.memory_space<vmem_shared>>)
      tpu.yield
    }) : () -> ()
    %dma_wait3A_54 = arith.constant 79 : i32
    %dma_wait3A_55 = arith.constant 0 : i32
    %dma_wait3A_56 = tpu.memref_slice %arg6[%dma_wait3A_54, %dma_wait3A_55] : memref<80x125xi32, #tpu.memory_space<vmem>> -> memref<1x125xi32, #tpu.memory_space<vmem>>
    %dma_wait3A_57 = tpu.memref_squeeze %dma_wait3A_56 : memref<1x125xi32, #tpu.memory_space<vmem>> -> memref<125xi32, #tpu.memory_space<vmem>>
    %dma_wait3A_58 = arith.constant 0 : i32
    %dma_wait3A_59 = arith.constant 0 : i32
    %dma_wait3A_60 = tpu.memref_slice %arg10[%dma_wait3A_58, %dma_wait3A_59] : memref<10240x16xf32, #tpu.memory_space<vmem_shared>> -> memref<10240x16xf32, #tpu.memory_space<vmem_shared>>
    tpu.wait_indirect_dma semaphore(%arg13 : memref<!tpu.dma_semaphore, #tpu.memory_space<semaphore_mem>>) src(%dma_wait3A_60 : memref<10240x16xf32, #tpu.memory_space<vmem_shared>>) dst(%arg9 : memref<125x16xf32, #tpu.memory_space<vmem>>)
    %run_scoped3A_61 = arith.constant 79 : i32
    "tpu.region"() ({
      %run_scoped3A_63 = tpu.sem_alloc : memref<!tpu.dma_semaphore, #tpu.memory_space<semaphore_mem>>
      %dma_start3A_64 = arith.constant 0 : i32
      %dma_start3A_65 = tpu.memref_slice %arg7[%run_scoped3A_61, %dma_start3A_64] : memref<80x125xi32, #tpu.memory_space<vmem>> -> memref<1x125xi32, #tpu.memory_space<vmem>>
      %dma_start3A_66 = tpu.memref_squeeze %dma_start3A_65 : memref<1x125xi32, #tpu.memory_space<vmem>> -> memref<125xi32, #tpu.memory_space<vmem>>
      %dma_start3A_67 = arith.constant 0 : i32
      %dma_start3A_68 = arith.constant 0 : i32
      %dma_start3A_69 = tpu.memref_slice %arg11[%dma_start3A_67, %dma_start3A_68] : memref<10240x16xf32, #tpu.memory_space<vmem_shared>> -> memref<10240x16xf32, #tpu.memory_space<vmem_shared>>
      tpu.enqueue_indirect_dma source(%arg9 : memref<125x16xf32, #tpu.memory_space<vmem>>) target(%dma_start3A_69 : memref<10240x16xf32, #tpu.memory_space<vmem_shared>>) offsets(%dma_start3A_66 : memref<125xi32, #tpu.memory_space<vmem>>) semaphore(%run_scoped3A_63 : memref<!tpu.dma_semaphore, #tpu.memory_space<semaphore_mem>>) {add = true}
      %dma_wait3A_70 = arith.constant 0 : i32
      %dma_wait3A_71 = tpu.memref_slice %arg7[%run_scoped3A_61, %dma_wait3A_70] : memref<80x125xi32, #tpu.memory_space<vmem>> -> memref<1x125xi32, #tpu.memory_space<vmem>>
      %dma_wait3A_72 = tpu.memref_squeeze %dma_wait3A_71 : memref<1x125xi32, #tpu.memory_space<vmem>> -> memref<125xi32, #tpu.memory_space<vmem>>
      %dma_wait3A_73 = arith.constant 0 : i32
      %dma_wait3A_74 = arith.constant 0 : i32
      %dma_wait3A_75 = tpu.memref_slice %arg11[%dma_wait3A_73, %dma_wait3A_74] : memref<10240x16xf32, #tpu.memory_space<vmem_shared>> -> memref<10240x16xf32, #tpu.memory_space<vmem_shared>>
      tpu.wait_indirect_dma semaphore(%run_scoped3A_63 : memref<!tpu.dma_semaphore, #tpu.memory_space<semaphore_mem>>) src(%arg9 : memref<125x16xf32, #tpu.memory_space<vmem>>) dst(%dma_wait3A_75 : memref<10240x16xf32, #tpu.memory_space<vmem_shared>>)
      tpu.yield
    }) : () -> ()
    %barrier3A_62 = arith.constant 0 : index
    tpu.barrier barrier_id(%barrier3A_62)
    "tpu.region"() ({
      %run_scoped3A_63 = tpu.sem_alloc : memref<!tpu.dma_semaphore, #tpu.memory_space<semaphore_mem>>
      %dma_start3A_64 = arith.constant 0 : i32
      %dma_start3A_65 = tpu.memref_slice %arg5[%arg0, %multiple_of3A, %dma_start3A_64] : memref<2x10240x16xf32, #tpu.memory_space<hbm>> -> memref<1x640x16xf32, #tpu.memory_space<hbm>>
      %dma_start3A_66 = tpu.memref_squeeze %dma_start3A_65 : memref<1x640x16xf32, #tpu.memory_space<hbm>> -> memref<640x16xf32, #tpu.memory_space<hbm>>
      %dma_start3A_67 = arith.constant 0 : i32
      %dma_start3A_68 = tpu.memref_slice %arg11[%multiple_of3A, %dma_start3A_67] : memref<10240x16xf32, #tpu.memory_space<vmem_shared>> -> memref<640x16xf32, #tpu.memory_space<vmem_shared>>
      tpu.enqueue_dma source(%dma_start3A_68 : memref<640x16xf32, #tpu.memory_space<vmem_shared>>) target(%dma_start3A_66 : memref<640x16xf32, #tpu.memory_space<hbm>>) target_semaphore(%run_scoped3A_63 : memref<!tpu.dma_semaphore, #tpu.memory_space<semaphore_mem>>)
      %dma_wait3A_69 = arith.constant 0 : i32
      %dma_wait3A_70 = tpu.memref_slice %arg5[%arg0, %multiple_of3A, %dma_wait3A_69] : memref<2x10240x16xf32, #tpu.memory_space<hbm>> -> memref<1x640x16xf32, #tpu.memory_space<hbm>>
      %dma_wait3A_71 = tpu.memref_squeeze %dma_wait3A_70 : memref<1x640x16xf32, #tpu.memory_space<hbm>> -> memref<640x16xf32, #tpu.memory_space<hbm>>
      %dma_wait3A_72 = arith.constant 0 : i32
      %dma_wait3A_73 = tpu.memref_slice %arg11[%multiple_of3A, %dma_wait3A_72] : memref<10240x16xf32, #tpu.memory_space<vmem_shared>> -> memref<640x16xf32, #tpu.memory_space<vmem_shared>>
      tpu.wait_dma2 semaphore(%run_scoped3A_63 : memref<!tpu.dma_semaphore, #tpu.memory_space<semaphore_mem>>) src(%dma_wait3A_73 : memref<640x16xf32, #tpu.memory_space<vmem_shared>>) dst(%dma_wait3A_71 : memref<640x16xf32, #tpu.memory_space<hbm>>)
      tpu.yield
    }) : () -> ()
    return
  }
}

module attributes {stable_mosaic.version = 14 : i64} {
  func.func @_stage1_body(%arg0: i32, %arg1: memref<5120x128xf32, #tpu.memory_space<vmem>>, %arg2: memref<128x32xf32, #tpu.memory_space<vmem>>, %arg3: memref<128x32xf32, #tpu.memory_space<vmem>>, %arg4: memref<5120x32xf32, #tpu.memory_space<vmem>>, %arg5: memref<5120x32xf32, #tpu.memory_space<vmem>>) attributes {dimension_semantics = [#tpu.dimension_semantics<arbitrary>], iteration_bounds = array<i64: 2>, scalar_prefetch = 0 : i64, scratch_operands = 0 : i64, tpu.core_type = #tpu.core_type<tc>, window_params = [{transform_indices = @transform_0, window_bounds = array<i64: 5120, 128>}, {pipeline_mode = #tpu.pipeline_mode<synchronous>, transform_indices = @transform_1, window_bounds = array<i64: 128, 32>}, {pipeline_mode = #tpu.pipeline_mode<synchronous>, transform_indices = @transform_2, window_bounds = array<i64: 128, 32>}, {transform_indices = @transform_3, window_bounds = array<i64: 5120, 32>}, {transform_indices = @transform_4, window_bounds = array<i64: 5120, 32>}]} {
    %get3A = arith.constant 0 : index
    %get3A_0 = arith.constant 0 : index
    %get3A_1 = vector.load %arg1[%get3A, %get3A_0] : memref<5120x128xf32, #tpu.memory_space<vmem>>, vector<5120x128xf32>
    %get3A_2 = arith.constant 0 : index
    %get3A_3 = arith.constant 0 : index
    %get3A_4 = vector.load %arg2[%get3A_2, %get3A_3] : memref<128x32xf32, #tpu.memory_space<vmem>>, vector<128x32xf32>
    %dot_general3A = arith.constant dense<0.000000e+00> : vector<5120x32xf32>
    %dot_general3A_5 = tpu.matmul %get3A_1, %get3A_4, %dot_general3A {dimension_numbers = #tpu.dot_dimension_numbers<[1], [0], [0], [1], [0, 0, 1, 1], [], []>, transpose_lhs_hint = false} : vector<5120x128xf32>, vector<128x32xf32>, vector<5120x32xf32> -> vector<5120x32xf32>
    %swap3A = arith.constant 0 : index
    %swap3A_6 = arith.constant 0 : index
    %swap3A_7 = vector.load %arg4[%swap3A, %swap3A_6] : memref<5120x32xf32, #tpu.memory_space<vmem>>, vector<5120x32xf32>
    tpu.vector_store %arg4[%swap3A, %swap3A_6], %dot_general3A_5 {strides = array<i32>} : memref<5120x32xf32, #tpu.memory_space<vmem>>, vector<5120x32xf32>,
    %get3A_8 = arith.constant 0 : index
    %get3A_9 = arith.constant 0 : index
    %get3A_10 = vector.load %arg3[%get3A_8, %get3A_9] : memref<128x32xf32, #tpu.memory_space<vmem>>, vector<128x32xf32>
    %dot_general3A_11 = arith.constant dense<0.000000e+00> : vector<5120x32xf32>
    %dot_general3A_12 = tpu.matmul %get3A_1, %get3A_10, %dot_general3A_11 {dimension_numbers = #tpu.dot_dimension_numbers<[1], [0], [0], [1], [0, 0, 1, 1], [], []>, transpose_lhs_hint = false} : vector<5120x128xf32>, vector<128x32xf32>, vector<5120x32xf32> -> vector<5120x32xf32>
    %swap3A_13 = arith.constant 0 : index
    %swap3A_14 = arith.constant 0 : index
    %swap3A_15 = vector.load %arg5[%swap3A_13, %swap3A_14] : memref<5120x32xf32, #tpu.memory_space<vmem>>, vector<5120x32xf32>
    tpu.vector_store %arg5[%swap3A_13, %swap3A_14], %dot_general3A_12 {strides = array<i32>} : memref<5120x32xf32, #tpu.memory_space<vmem>>, vector<5120x32xf32>,
    return
  }
  func.func @transform_0(%arg0: i32) -> (i32, i32) {
    %c0_i32 = arith.constant 0 : i32
    %c0_i32_0 = arith.constant 0 : i32
    return %arg0, %c0_i32 : i32, i32
  }
  func.func @transform_1(%arg0: i32) -> (i32, i32) {
    %c0_i32 = arith.constant 0 : i32
    %c0_i32_0 = arith.constant 0 : i32
    %c0_i32_1 = arith.constant 0 : i32
    return %c0_i32, %c0_i32_0 : i32, i32
  }
  func.func @transform_2(%arg0: i32) -> (i32, i32) {
    %c0_i32 = arith.constant 0 : i32
    %c0_i32_0 = arith.constant 0 : i32
    %c0_i32_1 = arith.constant 0 : i32
    return %c0_i32, %c0_i32_0 : i32, i32
  }
  func.func @transform_3(%arg0: i32) -> (i32, i32) {
    %c0_i32 = arith.constant 0 : i32
    %c0_i32_0 = arith.constant 0 : i32
    return %arg0, %c0_i32 : i32, i32
  }
  func.func @transform_4(%arg0: i32) -> (i32, i32) {
    %c0_i32 = arith.constant 0 : i32
    %c0_i32_0 = arith.constant 0 : i32
    return %arg0, %c0_i32 : i32, i32
  }
}

module attributes {stable_mosaic.version = 14 : i64} {
  func.func @_mid_body(%arg0: i32, %arg1: memref<2x5120x32xf32, #tpu.memory_space<vmem>>, %arg2: memref<2x5120xf32, #tpu.memory_space<vmem>>, %arg3: memref<5120x32xf32, #tpu.memory_space<vmem>>, %arg4: memref<1x32xf32, #tpu.memory_space<vmem>>, %arg5: memref<32x16xf32, #tpu.memory_space<vmem>>, %arg6: memref<32x16xf32, #tpu.memory_space<vmem>>, %arg7: memref<5120x16xf32, #tpu.memory_space<vmem>>, %arg8: memref<5120x16xf32, #tpu.memory_space<vmem>>) attributes {dimension_semantics = [#tpu.dimension_semantics<arbitrary>], iteration_bounds = array<i64: 2>, scalar_prefetch = 0 : i64, scratch_operands = 0 : i64, tpu.core_type = #tpu.core_type<tc>, window_params = [{transform_indices = @transform_0, window_bounds = array<i64: 2, 5120, 32>}, {transform_indices = @transform_1, window_bounds = array<i64: 2, 5120>}, {transform_indices = @transform_2, window_bounds = array<i64: 5120, 32>}, {pipeline_mode = #tpu.pipeline_mode<synchronous>, transform_indices = @transform_3, window_bounds = array<i64: 1, 32>}, {pipeline_mode = #tpu.pipeline_mode<synchronous>, transform_indices = @transform_4, window_bounds = array<i64: 32, 16>}, {pipeline_mode = #tpu.pipeline_mode<synchronous>, transform_indices = @transform_5, window_bounds = array<i64: 32, 16>}, {transform_indices = @transform_6, window_bounds = array<i64: 5120, 16>}, {transform_indices = @transform_7, window_bounds = array<i64: 5120, 16>}]} {
    %get3A = arith.constant 0 : index
    %get3A_0 = arith.constant 0 : index
    %get3A_1 = arith.constant 0 : index
    %get3A_2 = vector.load %arg1[%get3A, %get3A_0, %get3A_1] : memref<2x5120x32xf32, #tpu.memory_space<vmem>>, vector<2x5120x32xf32>
    %slice3A = vector.extract_strided_slice %get3A_2 {offsets = [0, 0, 0], sizes = [1, 5120, 32], strides = [1, 1, 1]} : vector<2x5120x32xf32> to vector<1x5120x32xf32>
    %squeeze3A = vector.shape_cast %slice3A : vector<1x5120x32xf32> to vector<5120x32xf32>
    %slice3A_3 = vector.extract_strided_slice %get3A_2 {offsets = [1, 0, 0], sizes = [1, 5120, 32], strides = [1, 1, 1]} : vector<2x5120x32xf32> to vector<1x5120x32xf32>
    %squeeze3A_4 = vector.shape_cast %slice3A_3 : vector<1x5120x32xf32> to vector<5120x32xf32>
    %add3A = arith.addf %squeeze3A, %squeeze3A_4 : vector<5120x32xf32>
    %get3A_5 = arith.constant 0 : index
    %get3A_6 = arith.constant 0 : index
    %get3A_7 = vector.load %arg2[%get3A_5, %get3A_6] : memref<2x5120xf32, #tpu.memory_space<vmem>>, vector<2x5120xf32>
    %broadcast_in_dim3A = arith.constant 1.000000e+00 : f32
    %broadcast_in_dim3A_8 = vector.broadcast %broadcast_in_dim3A : f32 to vector<2x1xf32>
    %dot_general3A = arith.constant dense<0.000000e+00> : vector<5120x1xf32>
    %dot_general3A_9 = tpu.matmul %get3A_7, %broadcast_in_dim3A_8, %dot_general3A {dimension_numbers = #tpu.dot_dimension_numbers<[0], [0], [1], [1], [0, 1, 1, 1], [], []>, transpose_lhs_hint = false} : vector<2x5120xf32>, vector<2x1xf32>, vector<5120x1xf32> -> vector<5120x1xf32>
    %max3A = arith.constant 1.000000e+00 : f32
    %max3A_10 = vector.broadcast %max3A : f32 to vector<5120x1xf32>
    %max3A_11 = arith.maximumf %dot_general3A_9, %max3A_10 : vector<5120x1xf32>
    %div3A = arith.constant 1.000000e+00 : f32
    %div3A_12 = vector.broadcast %div3A : f32 to vector<5120x1xf32>
    %div3A_13 = arith.divf %div3A_12, %max3A_11 : vector<5120x1xf32>
    %mul3A = vector.broadcast %div3A_13 : vector<5120x1xf32> to vector<5120x32xf32>
    %mul3A_14 = arith.mulf %add3A, %mul3A : vector<5120x32xf32>
    %get3A_15 = arith.constant 0 : index
    %get3A_16 = arith.constant 0 : index
    %get3A_17 = vector.load %arg4[%get3A_15, %get3A_16] : memref<1x32xf32, #tpu.memory_space<vmem>>, vector<1x32xf32>
    %add3A_18 = vector.broadcast %get3A_17 : vector<1x32xf32> to vector<5120x32xf32>
    %add3A_19 = arith.addf %mul3A_14, %add3A_18 : vector<5120x32xf32>
    %get3A_20 = arith.constant 0 : index
    %get3A_21 = arith.constant 0 : index
    %get3A_22 = vector.load %arg3[%get3A_20, %get3A_21] : memref<5120x32xf32, #tpu.memory_space<vmem>>, vector<5120x32xf32>
    %add3A_23 = arith.addf %add3A_19, %get3A_22 : vector<5120x32xf32>
    %max3A_24 = arith.constant 0.000000e+00 : f32
    %max3A_25 = vector.broadcast %max3A_24 : f32 to vector<5120x32xf32>
    %max3A_26 = arith.maximumf %add3A_23, %max3A_25 : vector<5120x32xf32>
    %get3A_27 = arith.constant 0 : index
    %get3A_28 = arith.constant 0 : index
    %get3A_29 = vector.load %arg5[%get3A_27, %get3A_28] : memref<32x16xf32, #tpu.memory_space<vmem>>, vector<32x16xf32>
    %dot_general3A_30 = arith.constant dense<0.000000e+00> : vector<5120x16xf32>
    %dot_general3A_31 = tpu.matmul %max3A_26, %get3A_29, %dot_general3A_30 {dimension_numbers = #tpu.dot_dimension_numbers<[1], [0], [0], [1], [0, 0, 1, 1], [], []>, transpose_lhs_hint = false} : vector<5120x32xf32>, vector<32x16xf32>, vector<5120x16xf32> -> vector<5120x16xf32>
    %swap3A = arith.constant 0 : index
    %swap3A_32 = arith.constant 0 : index
    %swap3A_33 = vector.load %arg7[%swap3A, %swap3A_32] : memref<5120x16xf32, #tpu.memory_space<vmem>>, vector<5120x16xf32>
    tpu.vector_store %arg7[%swap3A, %swap3A_32], %dot_general3A_31 {strides = array<i32>} : memref<5120x16xf32, #tpu.memory_space<vmem>>, vector<5120x16xf32>,
    %get3A_34 = arith.constant 0 : index
    %get3A_35 = arith.constant 0 : index
    %get3A_36 = vector.load %arg6[%get3A_34, %get3A_35] : memref<32x16xf32, #tpu.memory_space<vmem>>, vector<32x16xf32>
    %dot_general3A_37 = arith.constant dense<0.000000e+00> : vector<5120x16xf32>
    %dot_general3A_38 = tpu.matmul %max3A_26, %get3A_36, %dot_general3A_37 {dimension_numbers = #tpu.dot_dimension_numbers<[1], [0], [0], [1], [0, 0, 1, 1], [], []>, transpose_lhs_hint = false} : vector<5120x32xf32>, vector<32x16xf32>, vector<5120x16xf32> -> vector<5120x16xf32>
    %swap3A_39 = arith.constant 0 : index
    %swap3A_40 = arith.constant 0 : index
    %swap3A_41 = vector.load %arg8[%swap3A_39, %swap3A_40] : memref<5120x16xf32, #tpu.memory_space<vmem>>, vector<5120x16xf32>
    tpu.vector_store %arg8[%swap3A_39, %swap3A_40], %dot_general3A_38 {strides = array<i32>} : memref<5120x16xf32, #tpu.memory_space<vmem>>, vector<5120x16xf32>,
    return
  }
  func.func @transform_0(%arg0: i32) -> (i32, i32, i32) {
    %c0_i32 = arith.constant 0 : i32
    %c0_i32_0 = arith.constant 0 : i32
    %c0_i32_1 = arith.constant 0 : i32
    return %c0_i32, %arg0, %c0_i32_0 : i32, i32, i32
  }
  func.func @transform_1(%arg0: i32) -> (i32, i32) {
    %c0_i32 = arith.constant 0 : i32
    %c0_i32_0 = arith.constant 0 : i32
    return %c0_i32, %arg0 : i32, i32
  }
  func.func @transform_2(%arg0: i32) -> (i32, i32) {
    %c0_i32 = arith.constant 0 : i32
    %c0_i32_0 = arith.constant 0 : i32
    return %arg0, %c0_i32 : i32, i32
  }
  func.func @transform_3(%arg0: i32) -> (i32, i32) {
    %c0_i32 = arith.constant 0 : i32
    %c0_i32_0 = arith.constant 0 : i32
    %c0_i32_1 = arith.constant 0 : i32
    return %c0_i32, %c0_i32_0 : i32, i32
  }
  func.func @transform_4(%arg0: i32) -> (i32, i32) {
    %c0_i32 = arith.constant 0 : i32
    %c0_i32_0 = arith.constant 0 : i32
    %c0_i32_1 = arith.constant 0 : i32
    return %c0_i32, %c0_i32_0 : i32, i32
  }
  func.func @transform_5(%arg0: i32) -> (i32, i32) {
    %c0_i32 = arith.constant 0 : i32
    %c0_i32_0 = arith.constant 0 : i32
    %c0_i32_1 = arith.constant 0 : i32
    return %c0_i32, %c0_i32_0 : i32, i32
  }
  func.func @transform_6(%arg0: i32) -> (i32, i32) {
    %c0_i32 = arith.constant 0 : i32
    %c0_i32_0 = arith.constant 0 : i32
    return %arg0, %c0_i32 : i32, i32
  }
  func.func @transform_7(%arg0: i32) -> (i32, i32) {
    %c0_i32 = arith.constant 0 : i32
    %c0_i32_0 = arith.constant 0 : i32
    return %arg0, %c0_i32 : i32, i32
  }
}

module attributes {stable_mosaic.version = 14 : i64} {
  func.func @_dec_body(%arg0: i32, %arg1: memref<2x5120x16xf32, #tpu.memory_space<vmem>>, %arg2: memref<2x5120xf32, #tpu.memory_space<vmem>>, %arg3: memref<5120x16xf32, #tpu.memory_space<vmem>>, %arg4: memref<1x16xf32, #tpu.memory_space<vmem>>, %arg5: memref<16x128xf32, #tpu.memory_space<vmem>>, %arg6: memref<1x128xf32, #tpu.memory_space<vmem>>, %arg7: memref<5120x128xf32, #tpu.memory_space<vmem>>, %arg8: memref<5120x16xf32, #tpu.memory_space<vmem>>) attributes {dimension_semantics = [#tpu.dimension_semantics<arbitrary>], iteration_bounds = array<i64: 2>, scalar_prefetch = 0 : i64, scratch_operands = 0 : i64, tpu.core_type = #tpu.core_type<tc>, window_params = [{transform_indices = @transform_0, window_bounds = array<i64: 2, 5120, 16>}, {transform_indices = @transform_1, window_bounds = array<i64: 2, 5120>}, {transform_indices = @transform_2, window_bounds = array<i64: 5120, 16>}, {pipeline_mode = #tpu.pipeline_mode<synchronous>, transform_indices = @transform_3, window_bounds = array<i64: 1, 16>}, {pipeline_mode = #tpu.pipeline_mode<synchronous>, transform_indices = @transform_4, window_bounds = array<i64: 16, 128>}, {pipeline_mode = #tpu.pipeline_mode<synchronous>, transform_indices = @transform_5, window_bounds = array<i64: 1, 128>}, {transform_indices = @transform_6, window_bounds = array<i64: 5120, 128>}, {transform_indices = @transform_7, window_bounds = array<i64: 5120, 16>}]} {
    %get3A = arith.constant 0 : index
    %get3A_0 = arith.constant 0 : index
    %get3A_1 = arith.constant 0 : index
    %get3A_2 = vector.load %arg1[%get3A, %get3A_0, %get3A_1] : memref<2x5120x16xf32, #tpu.memory_space<vmem>>, vector<2x5120x16xf32>
    %get3A_3 = arith.constant 0 : index
    %get3A_4 = arith.constant 0 : index
    %get3A_5 = vector.load %arg2[%get3A_3, %get3A_4] : memref<2x5120xf32, #tpu.memory_space<vmem>>, vector<2x5120xf32>
    %broadcast_in_dim3A = arith.constant 1.000000e+00 : f32
    %broadcast_in_dim3A_6 = vector.broadcast %broadcast_in_dim3A : f32 to vector<2x1xf32>
    %dot_general3A = arith.constant dense<0.000000e+00> : vector<5120x1xf32>
    %dot_general3A_7 = tpu.matmul %get3A_5, %broadcast_in_dim3A_6, %dot_general3A {dimension_numbers = #tpu.dot_dimension_numbers<[0], [0], [1], [1], [0, 1, 1, 1], [], []>, transpose_lhs_hint = false} : vector<2x5120xf32>, vector<2x1xf32>, vector<5120x1xf32> -> vector<5120x1xf32>
    %max3A = arith.constant 1.000000e+00 : f32
    %max3A_8 = vector.broadcast %max3A : f32 to vector<5120x1xf32>
    %max3A_9 = arith.maximumf %dot_general3A_7, %max3A_8 : vector<5120x1xf32>
    %div3A = arith.constant 1.000000e+00 : f32
    %div3A_10 = vector.broadcast %div3A : f32 to vector<5120x1xf32>
    %div3A_11 = arith.divf %div3A_10, %max3A_9 : vector<5120x1xf32>
    %slice3A = vector.extract_strided_slice %get3A_2 {offsets = [0, 0, 0], sizes = [1, 5120, 16], strides = [1, 1, 1]} : vector<2x5120x16xf32> to vector<1x5120x16xf32>
    %squeeze3A = vector.shape_cast %slice3A : vector<1x5120x16xf32> to vector<5120x16xf32>
    %slice3A_12 = vector.extract_strided_slice %get3A_2 {offsets = [1, 0, 0], sizes = [1, 5120, 16], strides = [1, 1, 1]} : vector<2x5120x16xf32> to vector<1x5120x16xf32>
    %squeeze3A_13 = vector.shape_cast %slice3A_12 : vector<1x5120x16xf32> to vector<5120x16xf32>
    %add3A = arith.addf %squeeze3A, %squeeze3A_13 : vector<5120x16xf32>
    %mul3A = vector.broadcast %div3A_11 : vector<5120x1xf32> to vector<5120x16xf32>
    %mul3A_14 = arith.mulf %add3A, %mul3A : vector<5120x16xf32>
    %get3A_15 = arith.constant 0 : index
    %get3A_16 = arith.constant 0 : index
    %get3A_17 = vector.load %arg4[%get3A_15, %get3A_16] : memref<1x16xf32, #tpu.memory_space<vmem>>, vector<1x16xf32>
    %add3A_18 = vector.broadcast %get3A_17 : vector<1x16xf32> to vector<5120x16xf32>
    %add3A_19 = arith.addf %mul3A_14, %add3A_18 : vector<5120x16xf32>
    %get3A_20 = arith.constant 0 : index
    %get3A_21 = arith.constant 0 : index
    %get3A_22 = vector.load %arg3[%get3A_20, %get3A_21] : memref<5120x16xf32, #tpu.memory_space<vmem>>, vector<5120x16xf32>
    %add3A_23 = arith.addf %add3A_19, %get3A_22 : vector<5120x16xf32>
    %swap3A = arith.constant 0 : index
    %swap3A_24 = arith.constant 0 : index
    %swap3A_25 = vector.load %arg8[%swap3A, %swap3A_24] : memref<5120x16xf32, #tpu.memory_space<vmem>>, vector<5120x16xf32>
    tpu.vector_store %arg8[%swap3A, %swap3A_24], %add3A_23 {strides = array<i32>} : memref<5120x16xf32, #tpu.memory_space<vmem>>, vector<5120x16xf32>,
    %get3A_26 = arith.constant 0 : index
    %get3A_27 = arith.constant 0 : index
    %get3A_28 = vector.load %arg5[%get3A_26, %get3A_27] : memref<16x128xf32, #tpu.memory_space<vmem>>, vector<16x128xf32>
    %dot_general3A_29 = arith.constant dense<0.000000e+00> : vector<5120x128xf32>
    %dot_general3A_30 = tpu.matmul %add3A_23, %get3A_28, %dot_general3A_29 {dimension_numbers = #tpu.dot_dimension_numbers<[1], [0], [0], [1], [0, 0, 1, 1], [], []>, transpose_lhs_hint = false} : vector<5120x16xf32>, vector<16x128xf32>, vector<5120x128xf32> -> vector<5120x128xf32>
    %get3A_31 = arith.constant 0 : index
    %get3A_32 = arith.constant 0 : index
    %get3A_33 = vector.load %arg6[%get3A_31, %get3A_32] : memref<1x128xf32, #tpu.memory_space<vmem>>, vector<1x128xf32>
    %add3A_34 = vector.broadcast %get3A_33 : vector<1x128xf32> to vector<5120x128xf32>
    %add3A_35 = arith.addf %dot_general3A_30, %add3A_34 : vector<5120x128xf32>
    %swap3A_36 = arith.constant 0 : index
    %swap3A_37 = arith.constant 0 : index
    %swap3A_38 = vector.load %arg7[%swap3A_36, %swap3A_37] : memref<5120x128xf32, #tpu.memory_space<vmem>>, vector<5120x128xf32>
    tpu.vector_store %arg7[%swap3A_36, %swap3A_37], %add3A_35 {strides = array<i32>} : memref<5120x128xf32, #tpu.memory_space<vmem>>, vector<5120x128xf32>,
    return
  }
  func.func @transform_0(%arg0: i32) -> (i32, i32, i32) {
    %c0_i32 = arith.constant 0 : i32
    %c0_i32_0 = arith.constant 0 : i32
    %c0_i32_1 = arith.constant 0 : i32
    return %c0_i32, %arg0, %c0_i32_0 : i32, i32, i32
  }
  func.func @transform_1(%arg0: i32) -> (i32, i32) {
    %c0_i32 = arith.constant 0 : i32
    %c0_i32_0 = arith.constant 0 : i32
    return %c0_i32, %arg0 : i32, i32
  }
  func.func @transform_2(%arg0: i32) -> (i32, i32) {
    %c0_i32 = arith.constant 0 : i32
    %c0_i32_0 = arith.constant 0 : i32
    return %arg0, %c0_i32 : i32, i32
  }
  func.func @transform_3(%arg0: i32) -> (i32, i32) {
    %c0_i32 = arith.constant 0 : i32
    %c0_i32_0 = arith.constant 0 : i32
    %c0_i32_1 = arith.constant 0 : i32
    return %c0_i32, %c0_i32_0 : i32, i32
  }
  func.func @transform_4(%arg0: i32) -> (i32, i32) {
    %c0_i32 = arith.constant 0 : i32
    %c0_i32_0 = arith.constant 0 : i32
    %c0_i32_1 = arith.constant 0 : i32
    return %c0_i32, %c0_i32_0 : i32, i32
  }
  func.func @transform_5(%arg0: i32) -> (i32, i32) {
    %c0_i32 = arith.constant 0 : i32
    %c0_i32_0 = arith.constant 0 : i32
    %c0_i32_1 = arith.constant 0 : i32
    return %c0_i32, %c0_i32_0 : i32, i32
  }
  func.func @transform_6(%arg0: i32) -> (i32, i32) {
    %c0_i32 = arith.constant 0 : i32
    %c0_i32_0 = arith.constant 0 : i32
    return %arg0, %c0_i32 : i32, i32
  }
  func.func @transform_7(%arg0: i32) -> (i32, i32) {
    %c0_i32 = arith.constant 0 : i32
    %c0_i32_0 = arith.constant 0 : i32
    return %arg0, %c0_i32 : i32, i32
  }
}

</mosaic_0001>

<sc_bundles>
// kernel: kernel.10.cloned.1.call-start
scs
__scs_entry_jumppad:
0x0: {  	(pc) =	sbr.rel $0x88, $3  }
0x1: {  	(tag) =	ssettag $0x0;
	lr =	simm.s32 $0x1  }
0x2: {  	[smem:$0x3F97] =	sst lr;
	_ =	strace $0xD0000000  }
0x3: {  	_ = 	snop  }
0x4: {  	_ = 	snop  }
0x5: {  	_ = 	snop  }
0x6: {  	_ = 	snop  }
0x7: {  	_ = 	snop  }
__scs_overlays_trampoline_lowered:
0x8: {  	[smem:$0x3FA6] =	sst s0  }
0x9: {  	[smem:$0x3FA7] =	sst s1  }
0xa: {  	[smem:$0x3FA8] =	sst s2  }
0xb: {  	[smem:$0x3FA9] =	sst s3  }
0xc: {  	[smem:$0x3FAA] =	sst s4  }
0xd: {  	[smem:$0x3FAB] =	sst s5  }
0xe: {  	[smem:$0x3FAC] =	sst s6  }
0xf: {  	[smem:$0x3FAD] =	sst s7  }
0x10: {  	[smem:$0x3FAE] =	sst s8  }
0x11: {  	[smem:$0x3FAF] =	sst s9;
	s0 =	simm.s32 @!p0 $0x0  }
0x12: {  	s1 =	sld [smem:$0x3F95];
	s0 =	simm.s32 @p0 $0x1  }
0x13: {  	[smem:$0x3FB0] =	sst s0;
	s0 =	simm.s32 @!p1 $0x0  }
0x14: {  	s2 =	sld [smem:$0x3F94];
	s0 =	simm.s32 @p1 $0x1  }
0x15: {  	[smem:$0x3FB1] =	sst s0;
	s0 =	simm.s32 @!p2 $0x0  }
0x16: {  	s3 =	sld [smem:$0x3FDB];
	s0 =	simm.s32 @p2 $0x1  }
0x17: {  	s4 =	simm.s32 $0x1BF5;
	[smem:$0x3FB3] =	sst s0  }
0x18: {  	s0 =	sld [smem:$0x3F96];
	_ =	swait.ge [sflag:s4], $0x0  }
0x19: {  	s7 =	sld [smem:$0x3F97]  }
0x1a: {  	s8 =	sadd.s32 $0xFFFFE003, lr  }
0x1b: {  	s9 =	sadd.s32 $0xFFFFFEF7, lr;
	s5 =	simm.s32 $0xFFFFFFFF;
	p2 =	slt.u32 s8, $0xFFFFF086  }
0x1c: {  	p1 =	slt.u32 s9, $0xF7A;
	s5 =	simm.s32 @!p2 $0x0  }
0x1d: {  	s5 =	simm.s32 @p1 $0x1;
	p0 =	seq.s32 s7, s2  }
0x1e: {  	s7 =	smul.u32 @!p0 $0xF7A, s2;
	p2 =	seq.s32 @!p0 s5, $0x0  }
0x1f: {  	s9 =	smul.u32 $0xF7A, s1;
	s8 =	simm.s32 @!p0 $0x1BF5;
	p2 =	por !p2, p0  }
0x20: {  	[sflag:s8] =	ssyncset.s32 @!p0 $0xFFFFF086;
	s6 =	sadd.s32 @!p0 s3, s7;
	s7 =	simm.s32 @!p0 $0x108  }
0x21: {  	s3 =	sadd.s32 s3, s9;
	s6 =	sadd.s32 @!p0 $0x88, s6;
	s7 =	simm.s32 @p2 $0x1082  }
0x22: {  	[simem:s7], [sflag:s8] =	dma.local @!p0 [hbm:s6], $0xF7A  }
0x23: {  	s9 =	sor.u32 $0xD0000000, s2;
	s6 =	simm.s32 $0x108;
	_ =	swait.ge @!p0 [sflag:s8], $0x0  }
0x24: {  	s3 =	sadd.s32 $0x88, s3;
	s6 =	simm.s32 @!p1 $0x1082;
	[sflag:s4] =	ssyncset.s32 $0xFFFFF086  }
0x25: {  	[simem:s6], [sflag:s4] =	dma.local [hbm:s3], $0xF7A  }
0x26: {  	[smem:$0x3F97] =	sst s1;
	(tag) =	ssettag s2;
	_ =	strace s9  }
0x27: {  	s1 =	sld [smem:$0x3FA7]  }
0x28: {  	s2 =	sld [smem:$0x3FA8]  }
0x29: {  	s4 =	sld [smem:$0x3FAA]  }
0x2a: {  	p0 =	seq.s32 s5, $0x0;
	s5 =	sld [smem:$0x3FAB]  }
0x2b: {  	s6 =	sld [smem:$0x3FAC]  }
0x2c: {  	s7 =	sld [smem:$0x3FAD]  }
0x2d: {  	s3 =	simm.s32 $0x108;
	s8 =	sld [smem:$0x3FAE]  }
0x2e: {  	s3 =	simm.s32 @!p0 $0x1082;
	s9 =	sld [smem:$0x3FAF]  }
0x2f: {  	lr =	sadd.s32 s0, s3;
	s0 =	sld [smem:$0x3FA6]  }
0x30: {  	s3 =	sld [smem:$0x3FA9]  }
0x31: {  	[smem:$0x3FB2] =	sst s10  }
0x32: {  	s10 =	sld [smem:$0x3FB0];
	_ =	sdelay $0x3  }
0x33: {  	p0 =	seq.s32 s10, $0x1;
	s10 =	sld [smem:$0x3FB2];
	_ =	sdelay $0x3  }
0x34: {  	[smem:$0x3FB2] =	sst s10  }
0x35: {  	s10 =	sld [smem:$0x3FB1];
	_ =	sdelay $0x3  }
0x36: {  	p1 =	seq.s32 s10, $0x1;
	s10 =	sld [smem:$0x3FB2];
	_ =	sdelay $0x3  }
0x37: {  	[smem:$0x3FB2] =	sst s10  }
0x38: {  	s10 =	sld [smem:$0x3FB3]  }
0x39: {  	_ = 	snop;
	(pc) =	sbr.ind lr, $3  }
0x3a: {  	_ = 	snop  }
0x3b: {  	_ = 	snop  }
0x3c: {  	p2 =	seq.s32 s10, $0x1;
	s10 =	sld [smem:$0x3FB2]  }
0x3d: {  	_ =	shalt  }
0x3e: {  	_ =	shalt  }
0x3f: {  	_ =	shalt  }
0x40: {  	_ =	shalt  }
0x41: {  	_ =	shalt  }
0x42: {  	_ =	shalt  }
0x43: {  	_ =	shalt  }
0x44: {  	_ =	shalt  }
0x45: {  	_ =	shalt  }
0x46: {  	_ =	shalt  }
0x47: {  	_ =	shalt  }
0x48: {  	_ =	shalt  }
0x49: {  	_ =	shalt  }
0x4a: {  	_ =	shalt  }
0x4b: {  	_ =	shalt  }
0x4c: {  	_ =	shalt  }
0x4d: {  	_ =	shalt  }
0x4e: {  	_ =	shalt  }
0x4f: {  	_ =	shalt  }
0x50: {  	_ =	shalt  }
0x51: {  	_ =	shalt  }
0x52: {  	_ =	shalt  }
0x53: {  	_ =	shalt  }
0x54: {  	_ =	shalt  }
0x55: {  	_ =	shalt  }
0x56: {  	_ =	shalt  }
0x57: {  	_ =	shalt  }
0x58: {  	_ =	shalt  }
0x59: {  	_ =	shalt  }
0x5a: {  	_ =	shalt  }
0x5b: {  	_ =	shalt  }
0x5c: {  	_ =	shalt  }
0x5d: {  	_ =	shalt  }
0x5e: {  	_ =	shalt  }
0x5f: {  	_ =	shalt  }
0x60: {  	_ =	shalt  }
0x61: {  	_ =	shalt  }
0x62: {  	_ =	shalt  }
0x63: {  	_ =	shalt  }
0x64: {  	_ =	shalt  }
0x65: {  	_ =	shalt  }
0x66: {  	_ =	shalt  }
0x67: {  	_ =	shalt  }
0x68: {  	_ =	shalt  }
0x69: {  	_ =	shalt  }
0x6a: {  	_ =	shalt  }
0x6b: {  	_ =	shalt  }
0x6c: {  	_ =	shalt  }
0x6d: {  	_ =	shalt  }
0x6e: {  	_ =	shalt  }
0x6f: {  	_ =	shalt  }
0x70: {  	_ =	shalt  }
0x71: {  	_ =	shalt  }
0x72: {  	_ =	shalt  }
0x73: {  	_ =	shalt  }
0x74: {  	_ =	shalt  }
0x75: {  	_ =	shalt  }
0x76: {  	_ =	shalt  }
0x77: {  	_ =	shalt  }
0x78: {  	_ =	shalt  }
0x79: {  	_ =	shalt  }
0x7a: {  	_ =	shalt  }
0x7b: {  	_ =	shalt  }
0x7c: {  	_ =	shalt  }
0x7d: {  	_ =	shalt  }
0x7e: {  	_ =	shalt  }
0x7f: {  	_ =	shalt  }
0x80: {  	_ =	shalt  }
0x81: {  	_ =	shalt  }
0x82: {  	_ =	shalt  }
0x83: {  	_ =	shalt  }
0x84: {  	_ =	shalt  }
0x85: {  	_ =	shalt  }
0x86: {  	_ =	shalt  }
0x87: {  	_ =	shalt  }
.Lfunc_end0:
.L_simem_size_0:
called_computation.1_lowered:
.L_overlay_start_0:
0x88: {  	s2 =	sld [smem:$0x3FD9]  }
0x89: {  	s3 =	sld [smem:$0x3FFE];
	_ =	sdelay $0x1  }
0x8a: {  	s1 =	srdreg.scid  }
0x8b: {  	s0 =	sand.u32 $0x1, s1  }
0x8c: {  	s14 =	sshll.u32 s0, $0xA;
	s2 =	sadd.s32 s3, s2  }
0x8d: {  	s2 =	sadd.s32 s2, s14  }
0x8e: {  	[smem:$0x3FBE] =	sst s2  }
0x8f: {  	_ = 	snop  }
0x90: {  	s2 =	sld [smem:$0x3FD0];
	_ =	sdelay $0x2  }
0x91: {  	s15 =	simm.s32 $0xA;
	s4 =	simm.s32 $0x10  }
0x92: {  	[smem:s4], [sflag:s15] =	dma.local [hbm:s2], $0x1  }
0x93: {  	_ =	swait.eq [sflag:s15], $0x1  }
0x94: {  	[sflag:s15] =	ssyncset.done $0x0  }
0x95: {  	s16 =	sld [smem:$0x10];
	[sflag:s15] =	ssyncadd.s32 $0xFFFFFFFF  }
0x96: {  	s17 =	sld [smem:$0x11];
	(tm) =	ssettm $0x1  }
0x97: {  	s18 =	sld [smem:$0x3FFB];
	_ =	sdelay $0x3  }
0x98: {  	_ =	strace s18  }
0x99: {  	s4 =	sld [smem:$0x3FFC];
	_ =	sdelay $0x3  }
0x9a: {  	_ =	strace s4  }
0x9b: {  	s4 =	sld [smem:$0x3FFD];
	_ =	sdelay $0x3  }
0x9c: {  	_ =	strace s4  }
0x9d: {  	_ =	strace $0x8FFFFFFF  }
0x9e: {  	s19 =	sld [smem:$0x3FDB];
	_ =	sdelay $0x1  }
0x9f: {  	s5 =	simm.s32 $_scs_section_size  }
0xa0: {  	s6 =	simm.s32 $_size__tile_overlayer_lowered;
	s7 =	simm.s32 $_tile_overlayer_lowered  }
0xa1: {  	s22 =	simm.s32 $0x1BFF;
	s21 =	sshll.u32 s7, $0x1;
	s4 =	sadd.s32 s5, s19  }
0xa2: {  	s8 =	simm.s32 $0x0;
	s20 =	sshll.u32 s6, $0x1;
	s6 =	sadd.s32 s21, s4  }
0xa3: {  	[timem:s8], [sflag:s22] =	dma.local [hbm:s6], s20  }
0xa4: {  	_ =	swait.ge [sflag:s22], s20  }
0xa5: {  	s5 =	ssub.s32 $0x0, s20;
	[sflag:s22] =	ssyncset.done $0x0  }
0xa6: {  	[sflag:s22] =	ssyncadd.s32 s5;
	_ =	sdelay $0x1  }
0xa7: {  	s23 =	simm.s32 $0x1B8B  }
0xa8: {  	_ =	swait.ge [sflag:s23], $0x1  }
0xa9: {  	[sflag:s23] =	ssyncset.done $0x0  }
0xaa: {  	s25 =	simm.s32 $0x1B8E;
	s24 =	sld [smem:$0x3FFE];
	[sflag:s23] =	ssyncadd.s32 $0xFFFFFFFF  }
0xab: {  	s26 =	simm.s32 $execute0_lowered;
	[smem:$0x3FD2] =	sst s25  }
0xac: {  	s6 =	sshll.u32 s26, $0x1;
	_ =	strace $0x80000049;
	[dreg:$0x1] =	wrdreg $0xFFFFFFFF  }
0xad: {  	s28 =	simm.s32 $_size_execute0_lowered;
	s4 =	sadd.s32 s4, s6;
	[dreg:$0x0] =	wrdreg $0x0  }
0xae: {  	s6 =	sshll.u32 s28, $0x1;
	[dreg:$0x2] =	wrdreg s4  }
0xaf: {  	[dreg:$0x3] =	wrdreg s6  }
0xb0: {  	[dreg:$0x4] =	wrdreg $0xC0  }
0xb1: {  	_ =	task [dreg:s8], $0x5FFFF  }
0xb2: {  	[dreg:$0x1] =	wrdreg $0xFFFFFFFF  }
0xb3: {  	[dreg:$0x0] =	wrdreg $0x60  }
0xb4: {  	[dreg:$0x2] =	wrdreg s24  }
0xb5: {  	[dreg:$0x3] =	wrdreg s16  }
0xb6: {  	[dreg:$0x4] =	wrdreg s17  }
0xb7: {  	[dreg:$0x5] =	wrdreg $0x5FA00  }
0xb8: {  	[dreg:$0x6] =	wrdreg $0x87A00  }
0xb9: {  	[dreg:$0x7] =	wrdreg $0x9  }
0xba: {  	_ =	task.clear_ibuf [dreg:s8], $0x8FFFF;
	_ =	strace $0x90000049  }
0xbb: {  	s29 =	simm.s32 $0x9;
	_ =	strace $0x8000004B  }
0xbc: {  	_ =	swait.ge [sflag:s29], $0x1  }
0xbd: {  	[sflag:s29] =	ssyncadd.s32 $0xFFFFFFFF  }
0xbe: {  	_ =	strace $0x9000004B  }
0xbf: {  	_ =	sfence  }
0xc0: {  	s30 =	sld [smem:$0x0];
	_ =	sdelay $0x2  }
0xc1: {  	s31 =	sshll.u32 s1, $0xD;
	s1 =	sshrl.u32 s1, $0x2  }
0xc2: {  	s3 =	sand.u32 $0x4000, s31;
	s1 =	sadd.s32 s1, s30  }
0xc3: {  	s0 =	sor.u32 s3, s0;
	s1 =	sshll.u32 s1, $0x11  }
0xc4: {  	s0 =	sor.u32 s1, s0  }
0xc5: {  	s0 =	sadd.s32 $0x8F2B, s0  }
0xc6: {  	[sflag:s0] =	ssyncadd.remote.s32 $0x1  }
0xc7: {  	_ =	sfence.sel $0xFFFF  }
0xc8: {  	[dreg:$0x0] =	wrdreg $0xFFFFFFFF;
	(pc) =	sbr.abs _section_cstart, $3  }
0xc9: {  	[dreg:$0x1] =	wrdreg $0xFFFFFFFF  }
0xca: {  	_ =	task.clear_ibuf [dreg:s8], $0x2FFFF;
	_ =	strace $0x9FFFFFFF  }
0xcb: {  	(tm) =	ssettm $0x7FFFFFFF  }
tec
execute0_lowered:
.L_overlay_start_1:
0x0: {  	(tag) =	ssettag $0x1  }
0x1: {  	s6 =	rddreg [dreg:$0x0]  }
0x2: {  	s8 =	rddreg [dreg:$0x1]  }
0x3: {  	s2 =	rddreg [dreg:$0x2]  }
0x4: {  	s3 =	rddreg [dreg:$0x3]  }
0x5: {  	s4 =	rddreg [dreg:$0x4]  }
0x6: {  	s0 =	rddreg [dreg:$0x5];
	s1 =	stileid.u32  }
0x7: {  	s7 =	srdreg.scid;
	s5 =	simm.s32 $0x0;
	s17 =	simm.s32 $0x1  }
0x8: {  	s18 =	simm.s32 $0x2;
	s19 =	simm.s32 $0x7D;
	s20 =	simm.s32 $0x5000  }
0x9: {  	s21 =	simm.s32 $0x80;
	s22 =	simm.s32 $0x57D0;
	s23 =	simm.s32 $0x4F00  }
0xa: {  	s24 =	simm.s32 $0x4F80;
	s25 =	simm.s32 $0x0;
	s9 =	smul.u32 $0x2800, s1  }
0xb: {  	s7 =	sand.u32 $0x1, s7;
	[smem:$0x7FF] =	sst s5;
	s15 =	sshll.u32 s1, $0x6  }
0xc: {  	s10 =	smul.u32 $0x28000, s7;
	_ =	strace $0x8000004A;
	s12 =	sshll.u32 s7, $0x4  }
0xd: {  	s7 =	ssub.s32 $0x2, s7;
	s11 =	sshrl.u32 s9, $0x3;
	s12 =	sor.u32 s1, s12  }
0xe: {  	s13 =	sshrl.u32 s7, $0x1;
	s14 =	sadd.s32 s9, s3;
	s16 =	sadd.s32 s9, s4  }
0xf: {  	s10 =	sadd.s32 s9, s10;
	s12 =	smul.u32 $0x2800, s12;
	s11 =	sadd.s32 s11, s6  }
0x10: {  	s13 =	ssub.s32 s7, s13;
	s7 =	sor.u32 $0x1C01, s15;
	s10 =	sshrl.u32 s10, $0x3  }
0x11: {  	s10 =	sadd.s32 s10, s6;
	s12 =	sshrl.u32 s12, $0x3;
	s6 =	sadd.s32 $0x2200, s11  }
0x12: {  	s11 =	smax.u32 s13, $0x1;
	s13 =	sor.u32 $0x1C03, s15;
	s15 =	simm.s32 $0x3  }
0x13: {  	s8 =	sadd.s32 s8, s12;
	s10 =	sadd.s32 $0x7200, s10;
	s12 =	sshrl.u32 s14, $0x3  }
0x14: {  	s14 =	sshrl.u32 s16, $0x3;
	s16 =	simm.s32 $0x2800;
	s9 =	sadd.s32 $0xA000, s8  }
.LBB2_1:
0x15: {  	[spmem:s12], [sflag:s7] =	dma.local [hbm:s6], $0x500  }
0x16: {  	[tilespmem:s5], [sflag:$0x2] =	stream.linear.gather [hbm4b:s8+s5], $0x2800, $0x38;
	[tilespmem:$0xAFA0] =	vst v63  }
0x17: {  	[spmem:s14], [sflag:s13] =	dma.local [hbm:s2], $0x500  }
0x18: {  	_ =	swait.ge [sflag:s15], $0x500  }
0x19: {  	[sflag:s15] =	ssyncset.done $0x0  }
0x1a: {  	[sflag:s15] =	ssyncadd.s32 $0xFFFFFB00  }
0x1b: {  	[tilespmem:s16], [sflag:$0x3] =	stream.linear.gather [hbm4b:s9+s5], $0x2800, $0x38;
	[tilespmem:$0xAFA0] =	vst v63  }
0x1c: {  	_ =	swait.ge [sflag:s15], $0x2800  }
0x1d: {  	[sflag:s15] =	ssyncset.done $0x0  }
0x1e: {  	[sflag:s15] =	ssyncadd.s32 $0xFFFFD800  }
0x1f: {  	_ =	swait.ge [sflag:s17], $0x500  }
0x20: {  	[sflag:s17] =	ssyncset.done $0x0  }
0x21: {  	[sflag:s17] =	ssyncadd.s32 $0xFFFFFB00  }
0x22: {  	_ =	swait.ge [sflag:s18], $0x2800  }
0x23: {  	[sflag:s18] =	ssyncset.done $0x0  }
0x24: {  	[sflag:s18] =	ssyncadd.s32 $0xFFFFD800  }
0x25: {  	[bflag:$0x0] =	sbarrier.arrive $0xFFFF  }
0x26: {  	[tilespmem:s20], [sflag:$0x1] =	stream.indirect.gather [spmem:s3], $0x10, s5, s19, $0xb8;
	[tilespmem:$0xAFA0] =	vst v63  }
0x27: {  	_ = 	snop  }
0x28: {  	[tilespmem:s22], [sflag:$0x2] =	stream.indirect.gather [spmem:s3], $0x10, s21, s19, $0xb8;
	[tilespmem:$0xAFA0] =	vst v63  }
0x29: {  	_ =	swait.ge [sflag:s17], $0x7D0  }
0x2a: {  	[sflag:s17] =	ssyncset.done $0x0  }
0x2b: {  	s26 =	simm.s32 $0x2800;
	[sflag:s17] =	ssyncadd.s32 $0xFFFFF830  }
0x2c: {  	[spmem:s4] =	stream.indirect.scatter.add.f32 [tilespmem:s20], [sflag:$0x3], $0x10, s26, s19, $0xb8;
	[tilespmem:$0xAFA0] =	vst v63  }
0x2d: {  	_ =	swait.ge [sflag:s15], $0x7D0  }
0x2e: {  	[sflag:s15] =	ssyncset.done $0x0  }
0x2f: {  	s30 =	simm.s32 $0x100;
	[sflag:s15] =	ssyncadd.s32 $0xFFFFF830  }
0x30: {  	[tilespmem:s20], [sflag:$0x1] =	stream.indirect.gather [spmem:s3], $0x10, s30, s19, $0xb8;
	[tilespmem:$0xAFA0] =	vst v63  }
0x31: {  	_ =	swait.ge [sflag:s18], $0x7D0  }
0x32: {  	[sflag:s18] =	ssyncset.done $0x0  }
0x33: {  	s31 =	simm.s32 $0x2880;
	[sflag:s18] =	ssyncadd.s32 $0xFFFFF830  }
0x34: {  	[spmem:s4] =	stream.indirect.scatter.add.f32 [tilespmem:s22], [sflag:$0x3], $0x10, s31, s19, $0xb8;
	[tilespmem:$0xAFA0] =	vst v63  }
0x35: {  	_ =	swait.ge [sflag:s15], $0x7D0  }
0x36: {  	[sflag:s15] =	ssyncset.done $0x0  }
0x37: {  	s28 =	simm.s32 $0x180;
	s26 =	simm.s32 $0x400;
	[sflag:s15] =	ssyncadd.s32 $0xFFFFF830  }
.LBB2_2:
0x38: {  	[tilespmem:s22], [sflag:$0x2] =	stream.indirect.gather [spmem:s3], $0x10, s28, s19, $0xb8;
	[tilespmem:$0xAFA0] =	vst v63  }
0x39: {  	s28 =	smov.u32 s26  }
0x3a: {  	p0 =	sne.s32 s26, $0x9800;
	s26 =	sadd.s32 $0x400, s26;
	_ =	swait.ge [sflag:s17], $0x7D0  }
0x3b: {  	s28 =	sshra.s32 s28, $0x2;
	[sflag:s17] =	ssyncset.done $0x0  }
0x3c: {  	s29 =	sadd.s32 $0x2800, s28;
	[sflag:s17] =	ssyncadd.s32 $0xFFFFF830  }
0x3d: {  	[spmem:s4] =	stream.indirect.scatter.add.f32 [tilespmem:s20], [sflag:$0x3], $0x10, s29, s19, $0xb8;
	[tilespmem:$0xAFA0] =	vst v63  }
0x3e: {  	_ =	swait.ge [sflag:s15], $0x7D0  }
0x3f: {  	[sflag:s15] =	ssyncset.done $0x0  }
0x40: {  	s29 =	sadd.s32 $0x100, s28;
	[sflag:s15] =	ssyncadd.s32 $0xFFFFF830  }
0x41: {  	[tilespmem:s20], [sflag:$0x1] =	stream.indirect.gather [spmem:s3], $0x10, s29, s19, $0xb8;
	[tilespmem:$0xAFA0] =	vst v63  }
0x42: {  	_ =	swait.ge [sflag:s18], $0x7D0  }
0x43: {  	[sflag:s18] =	ssyncset.done $0x0  }
.Ltmp0:
0x44: {  	s29 =	sadd.s32 $0x2880, s28;
	[sflag:s18] =	ssyncadd.s32 $0xFFFFF830;
	(pc) =	sbr.rel @p0 .LBB2_2-.Ltmp0, $4  }
0x45: {  	[spmem:s4] =	stream.indirect.scatter.add.f32 [tilespmem:s22], [sflag:$0x3], $0x10, s29, s19, $0xb8;
	[tilespmem:$0xAFA0] =	vst v63  }
0x46: {  	_ =	swait.ge [sflag:s15], $0x7D0  }
0x47: {  	[sflag:s15] =	ssyncset.done $0x0  }
0x48: {  	s28 =	sadd.s32 $0x180, s28;
	[sflag:s15] =	ssyncadd.s32 $0xFFFFF830  }
0x49: {  	[tilespmem:s22], [sflag:$0x2] =	stream.indirect.gather [spmem:s3], $0x10, s28, s19, $0xb8;
	[tilespmem:$0xAFA0] =	vst v63  }
0x4a: {  	_ =	swait.ge [sflag:s17], $0x7D0  }
0x4b: {  	[sflag:s17] =	ssyncset.done $0x0  }
0x4c: {  	[sflag:s17] =	ssyncadd.s32 $0xFFFFF830  }
0x4d: {  	[spmem:s4] =	stream.indirect.scatter.add.f32 [tilespmem:s20], [sflag:$0x3], $0x10, s23, s19, $0xb8;
	[tilespmem:$0xAFA0] =	vst v63  }
0x4e: {  	_ =	swait.ge [sflag:s15], $0x7D0  }
0x4f: {  	[sflag:s15] =	ssyncset.done $0x0  }
0x50: {  	[sflag:s15] =	ssyncadd.s32 $0xFFFFF830  }
0x51: {  	_ =	swait.ge [sflag:s18], $0x7D0  }
0x52: {  	[sflag:s18] =	ssyncset.done $0x0  }
0x53: {  	[sflag:s18] =	ssyncadd.s32 $0xFFFFF830  }
0x54: {  	[spmem:s4] =	stream.indirect.scatter.add.f32 [tilespmem:s22], [sflag:$0x3], $0x10, s24, s19, $0xb8;
	[tilespmem:$0xAFA0] =	vst v63  }
0x55: {  	_ =	swait.ge [sflag:s15], $0x7D0  }
0x56: {  	s25 =	sadd.s32 $0x1, s25;
	[sflag:s15] =	ssyncset.done $0x0  }
0x57: {  	p0 =	sne.s32 s25, s11;
	[sflag:s15] =	ssyncadd.s32 $0xFFFFF830  }
.Ltmp1:
0x58: {  	[bflag:$0x0] =	sbarrier.arrive $0xFFFF;
	(pc) =	sbr.rel @p0 .LBB2_1-.Ltmp1, $4  }
0x59: {  	[hbm:s10], [sflag:s13] =	dma.local [spmem:s14], $0x500  }
0x5a: {  	_ =	swait.ge [sflag:s15], $0x500  }
0x5b: {  	[sflag:s15] =	ssyncset.done $0x0  }
0x5c: {  	[sflag:s15] =	ssyncadd.s32 $0xFFFFFB00  }
0x5d: {  	_ =	sfence.sel $0x180000  }
0x5e: {  	[bflag:$0x0] =	sbarrier.arrive $0xFFFF  }
0x5f: {  	p0 =	sne.s32 s1, $0x0;
	_ =	strace $0x9000004A  }
0x60: {  	s0 =	sadd.s32 @!p0 $0x100000, s0;
	[bflag:$0x2] =	sbarrier.arrive $0xFFFF  }
0x61: {  	[sflag:s0] =	ssyncadd.tile.s32 @!p0 $0x1;
	_ =	shalt  }
.Lfunc_end2:
_tile_overlayer_lowered:
.L_overlay_start_2:
0x62: {  	(tag) =	ssettag $0x2  }
0x63: {  	s0 =	rddreg [dreg:$0x0];
	s2 =	stileid.u32  }
0x64: {  	s1 =	rddreg [dreg:$0x1];
	p0 =	sne.s32 s2, $0x0  }
0x65: {  	s3 =	rddreg [dreg:$0x2];
	[bflag:$0x3] =	sbarrier.arrive $0xFFFF;
	s2 =	simm.s32 @!p0 $0x1C03  }
0x66: {  	[timem:s3], [sflag:s2] =	dma.local @!p0 [hbm:s0], s1  }
0x67: {  	s0 =	simm.s32 @!p0 $0x3  }
0x68: {  	_ =	swait.ge @!p0 [sflag:s0], s1  }
0x69: {  	s1 =	ssub.s32 @!p0 $0x0, s1;
	[sflag:s0] =	ssyncset.done @!p0 $0x0  }
0x6a: {  	[sflag:s0] =	ssyncadd.s32 @!p0 s1  }
0x6b: {  	[bflag:$0x3] =	sbarrier.arrive $0xFFFF  }
0x6c: {  	_ =	shalt  }

// kernel: kernel.7.cloned.1.call-start
scs
__scs_entry_jumppad:
0x0: {  	(pc) =	sbr.rel $0x88, $3  }
0x1: {  	(tag) =	ssettag $0x0;
	lr =	simm.s32 $0x1  }
0x2: {  	[smem:$0x3F97] =	sst lr;
	_ =	strace $0xD0000000  }
0x3: {  	_ = 	snop  }
0x4: {  	_ = 	snop  }
0x5: {  	_ = 	snop  }
0x6: {  	_ = 	snop  }
0x7: {  	_ = 	snop  }
__scs_overlays_trampoline_lowered:
0x8: {  	[smem:$0x3FA6] =	sst s0  }
0x9: {  	[smem:$0x3FA7] =	sst s1  }
0xa: {  	[smem:$0x3FA8] =	sst s2  }
0xb: {  	[smem:$0x3FA9] =	sst s3  }
0xc: {  	[smem:$0x3FAA] =	sst s4  }
0xd: {  	[smem:$0x3FAB] =	sst s5  }
0xe: {  	[smem:$0x3FAC] =	sst s6  }
0xf: {  	[smem:$0x3FAD] =	sst s7  }
0x10: {  	[smem:$0x3FAE] =	sst s8  }
0x11: {  	[smem:$0x3FAF] =	sst s9;
	s0 =	simm.s32 @!p0 $0x0  }
0x12: {  	s1 =	sld [smem:$0x3F95];
	s0 =	simm.s32 @p0 $0x1  }
0x13: {  	[smem:$0x3FB0] =	sst s0;
	s0 =	simm.s32 @!p1 $0x0  }
0x14: {  	s2 =	sld [smem:$0x3F94];
	s0 =	simm.s32 @p1 $0x1  }
0x15: {  	[smem:$0x3FB1] =	sst s0;
	s0 =	simm.s32 @!p2 $0x0  }
0x16: {  	s3 =	sld [smem:$0x3FDB];
	s0 =	simm.s32 @p2 $0x1  }
0x17: {  	s4 =	simm.s32 $0x1BF5;
	[smem:$0x3FB3] =	sst s0  }
0x18: {  	s0 =	sld [smem:$0x3F96];
	_ =	swait.ge [sflag:s4], $0x0  }
0x19: {  	s7 =	sld [smem:$0x3F97]  }
0x1a: {  	s8 =	sadd.s32 $0xFFFFE003, lr  }
0x1b: {  	s9 =	sadd.s32 $0xFFFFFEF7, lr;
	s5 =	simm.s32 $0xFFFFFFFF;
	p2 =	slt.u32 s8, $0xFFFFF086  }
0x1c: {  	p1 =	slt.u32 s9, $0xF7A;
	s5 =	simm.s32 @!p2 $0x0  }
0x1d: {  	s5 =	simm.s32 @p1 $0x1;
	p0 =	seq.s32 s7, s2  }
0x1e: {  	s7 =	smul.u32 @!p0 $0xF7A, s2;
	p2 =	seq.s32 @!p0 s5, $0x0  }
0x1f: {  	s9 =	smul.u32 $0xF7A, s1;
	s8 =	simm.s32 @!p0 $0x1BF5;
	p2 =	por !p2, p0  }
0x20: {  	[sflag:s8] =	ssyncset.s32 @!p0 $0xFFFFF086;
	s6 =	sadd.s32 @!p0 s3, s7;
	s7 =	simm.s32 @!p0 $0x108  }
0x21: {  	s3 =	sadd.s32 s3, s9;
	s6 =	sadd.s32 @!p0 $0x88, s6;
	s7 =	simm.s32 @p2 $0x1082  }
0x22: {  	[simem:s7], [sflag:s8] =	dma.local @!p0 [hbm:s6], $0xF7A  }
0x23: {  	s9 =	sor.u32 $0xD0000000, s2;
	s6 =	simm.s32 $0x108;
	_ =	swait.ge @!p0 [sflag:s8], $0x0  }
0x24: {  	s3 =	sadd.s32 $0x88, s3;
	s6 =	simm.s32 @!p1 $0x1082;
	[sflag:s4] =	ssyncset.s32 $0xFFFFF086  }
0x25: {  	[simem:s6], [sflag:s4] =	dma.local [hbm:s3], $0xF7A  }
0x26: {  	[smem:$0x3F97] =	sst s1;
	(tag) =	ssettag s2;
	_ =	strace s9  }
0x27: {  	s1 =	sld [smem:$0x3FA7]  }
0x28: {  	s2 =	sld [smem:$0x3FA8]  }
0x29: {  	s4 =	sld [smem:$0x3FAA]  }
0x2a: {  	p0 =	seq.s32 s5, $0x0;
	s5 =	sld [smem:$0x3FAB]  }
0x2b: {  	s6 =	sld [smem:$0x3FAC]  }
0x2c: {  	s7 =	sld [smem:$0x3FAD]  }
0x2d: {  	s3 =	simm.s32 $0x108;
	s8 =	sld [smem:$0x3FAE]  }
0x2e: {  	s3 =	simm.s32 @!p0 $0x1082;
	s9 =	sld [smem:$0x3FAF]  }
0x2f: {  	lr =	sadd.s32 s0, s3;
	s0 =	sld [smem:$0x3FA6]  }
0x30: {  	s3 =	sld [smem:$0x3FA9]  }
0x31: {  	[smem:$0x3FB2] =	sst s10  }
0x32: {  	s10 =	sld [smem:$0x3FB0];
	_ =	sdelay $0x3  }
0x33: {  	p0 =	seq.s32 s10, $0x1;
	s10 =	sld [smem:$0x3FB2];
	_ =	sdelay $0x3  }
0x34: {  	[smem:$0x3FB2] =	sst s10  }
0x35: {  	s10 =	sld [smem:$0x3FB1];
	_ =	sdelay $0x3  }
0x36: {  	p1 =	seq.s32 s10, $0x1;
	s10 =	sld [smem:$0x3FB2];
	_ =	sdelay $0x3  }
0x37: {  	[smem:$0x3FB2] =	sst s10  }
0x38: {  	s10 =	sld [smem:$0x3FB3]  }
0x39: {  	_ = 	snop;
	(pc) =	sbr.ind lr, $3  }
0x3a: {  	_ = 	snop  }
0x3b: {  	_ = 	snop  }
0x3c: {  	p2 =	seq.s32 s10, $0x1;
	s10 =	sld [smem:$0x3FB2]  }
0x3d: {  	_ =	shalt  }
0x3e: {  	_ =	shalt  }
0x3f: {  	_ =	shalt  }
0x40: {  	_ =	shalt  }
0x41: {  	_ =	shalt  }
0x42: {  	_ =	shalt  }
0x43: {  	_ =	shalt  }
0x44: {  	_ =	shalt  }
0x45: {  	_ =	shalt  }
0x46: {  	_ =	shalt  }
0x47: {  	_ =	shalt  }
0x48: {  	_ =	shalt  }
0x49: {  	_ =	shalt  }
0x4a: {  	_ =	shalt  }
0x4b: {  	_ =	shalt  }
0x4c: {  	_ =	shalt  }
0x4d: {  	_ =	shalt  }
0x4e: {  	_ =	shalt  }
0x4f: {  	_ =	shalt  }
0x50: {  	_ =	shalt  }
0x51: {  	_ =	shalt  }
0x52: {  	_ =	shalt  }
0x53: {  	_ =	shalt  }
0x54: {  	_ =	shalt  }
0x55: {  	_ =	shalt  }
0x56: {  	_ =	shalt  }
0x57: {  	_ =	shalt  }
0x58: {  	_ =	shalt  }
0x59: {  	_ =	shalt  }
0x5a: {  	_ =	shalt  }
0x5b: {  	_ =	shalt  }
0x5c: {  	_ =	shalt  }
0x5d: {  	_ =	shalt  }
0x5e: {  	_ =	shalt  }
0x5f: {  	_ =	shalt  }
0x60: {  	_ =	shalt  }
0x61: {  	_ =	shalt  }
0x62: {  	_ =	shalt  }
0x63: {  	_ =	shalt  }
0x64: {  	_ =	shalt  }
0x65: {  	_ =	shalt  }
0x66: {  	_ =	shalt  }
0x67: {  	_ =	shalt  }
0x68: {  	_ =	shalt  }
0x69: {  	_ =	shalt  }
0x6a: {  	_ =	shalt  }
0x6b: {  	_ =	shalt  }
0x6c: {  	_ =	shalt  }
0x6d: {  	_ =	shalt  }
0x6e: {  	_ =	shalt  }
0x6f: {  	_ =	shalt  }
0x70: {  	_ =	shalt  }
0x71: {  	_ =	shalt  }
0x72: {  	_ =	shalt  }
0x73: {  	_ =	shalt  }
0x74: {  	_ =	shalt  }
0x75: {  	_ =	shalt  }
0x76: {  	_ =	shalt  }
0x77: {  	_ =	shalt  }
0x78: {  	_ =	shalt  }
0x79: {  	_ =	shalt  }
0x7a: {  	_ =	shalt  }
0x7b: {  	_ =	shalt  }
0x7c: {  	_ =	shalt  }
0x7d: {  	_ =	shalt  }
0x7e: {  	_ =	shalt  }
0x7f: {  	_ =	shalt  }
0x80: {  	_ =	shalt  }
0x81: {  	_ =	shalt  }
0x82: {  	_ =	shalt  }
0x83: {  	_ =	shalt  }
0x84: {  	_ =	shalt  }
0x85: {  	_ =	shalt  }
0x86: {  	_ =	shalt  }
0x87: {  	_ =	shalt  }
.Lfunc_end0:
.L_simem_size_0:
called_computation_lowered:
.L_overlay_start_0:
0x88: {  	s2 =	sld [smem:$0x3FD9]  }
0x89: {  	s3 =	sld [smem:$0x3FFE];
	_ =	sdelay $0x1  }
0x8a: {  	s1 =	srdreg.scid  }
0x8b: {  	s0 =	sand.u32 $0x1, s1  }
0x8c: {  	s14 =	sshll.u32 s0, $0xA;
	s2 =	sadd.s32 s3, s2  }
0x8d: {  	s2 =	sadd.s32 s2, s14  }
0x8e: {  	[smem:$0x3FBE] =	sst s2  }
0x8f: {  	_ = 	snop  }
0x90: {  	s2 =	sld [smem:$0x3FD0];
	_ =	sdelay $0x2  }
0x91: {  	s15 =	simm.s32 $0xA;
	s4 =	simm.s32 $0x10  }
0x92: {  	[smem:s4], [sflag:s15] =	dma.local [hbm:s2], $0x1  }
0x93: {  	_ =	swait.eq [sflag:s15], $0x1  }
0x94: {  	[sflag:s15] =	ssyncset.done $0x0  }
0x95: {  	s16 =	sld [smem:$0x10];
	[sflag:s15] =	ssyncadd.s32 $0xFFFFFFFF  }
0x96: {  	s17 =	sld [smem:$0x11];
	(tm) =	ssettm $0x1  }
0x97: {  	s18 =	sld [smem:$0x3FFB];
	_ =	sdelay $0x3  }
0x98: {  	_ =	strace s18  }
0x99: {  	s4 =	sld [smem:$0x3FFC];
	_ =	sdelay $0x3  }
0x9a: {  	_ =	strace s4  }
0x9b: {  	s4 =	sld [smem:$0x3FFD];
	_ =	sdelay $0x3  }
0x9c: {  	_ =	strace s4  }
0x9d: {  	_ =	strace $0x8FFFFFFF  }
0x9e: {  	s19 =	sld [smem:$0x3FDB];
	_ =	sdelay $0x1  }
0x9f: {  	s5 =	simm.s32 $_scs_section_size  }
0xa0: {  	s6 =	simm.s32 $_size__tile_overlayer_lowered;
	s7 =	simm.s32 $_tile_overlayer_lowered  }
0xa1: {  	s22 =	simm.s32 $0x1BFF;
	s21 =	sshll.u32 s7, $0x1;
	s4 =	sadd.s32 s5, s19  }
0xa2: {  	s8 =	simm.s32 $0x0;
	s20 =	sshll.u32 s6, $0x1;
	s6 =	sadd.s32 s21, s4  }
0xa3: {  	[timem:s8], [sflag:s22] =	dma.local [hbm:s6], s20  }
0xa4: {  	_ =	swait.ge [sflag:s22], s20  }
0xa5: {  	s5 =	ssub.s32 $0x0, s20;
	[sflag:s22] =	ssyncset.done $0x0  }
0xa6: {  	[sflag:s22] =	ssyncadd.s32 s5;
	_ =	sdelay $0x1  }
0xa7: {  	s23 =	simm.s32 $0x1B8B  }
0xa8: {  	_ =	swait.ge [sflag:s23], $0x1  }
0xa9: {  	[sflag:s23] =	ssyncset.done $0x0  }
0xaa: {  	s25 =	simm.s32 $0x1B8E;
	s24 =	sld [smem:$0x3FFE];
	[sflag:s23] =	ssyncadd.s32 $0xFFFFFFFF  }
0xab: {  	s26 =	simm.s32 $execute0_lowered;
	[smem:$0x3FD2] =	sst s25  }
0xac: {  	s6 =	sshll.u32 s26, $0x1;
	_ =	strace $0x80000046;
	[dreg:$0x1] =	wrdreg $0xFFFFFFFF  }
0xad: {  	s28 =	simm.s32 $_size_execute0_lowered;
	s4 =	sadd.s32 s4, s6;
	[dreg:$0x0] =	wrdreg $0x0  }
0xae: {  	s6 =	sshll.u32 s28, $0x1;
	[dreg:$0x2] =	wrdreg s4  }
0xaf: {  	[dreg:$0x3] =	wrdreg s6  }
0xb0: {  	[dreg:$0x4] =	wrdreg $0xC0  }
0xb1: {  	_ =	task [dreg:s8], $0x5FFFF  }
0xb2: {  	[dreg:$0x1] =	wrdreg $0xFFFFFFFF  }
0xb3: {  	[dreg:$0x0] =	wrdreg $0x60  }
0xb4: {  	[dreg:$0x2] =	wrdreg s24  }
0xb5: {  	[dreg:$0x3] =	wrdreg s16  }
0xb6: {  	[dreg:$0x4] =	wrdreg s17  }
0xb7: {  	[dreg:$0x5] =	wrdreg $0x6F400  }
0xb8: {  	[dreg:$0x6] =	wrdreg $0xBF400  }
0xb9: {  	[dreg:$0x7] =	wrdreg $0x10FC00  }
0xba: {  	[dreg:$0x8] =	wrdreg $0x9  }
0xbb: {  	_ =	task.clear_ibuf [dreg:s8], $0x9FFFF;
	_ =	strace $0x90000046  }
0xbc: {  	s29 =	simm.s32 $0x9;
	_ =	strace $0x80000048  }
0xbd: {  	_ =	swait.ge [sflag:s29], $0x1  }
0xbe: {  	[sflag:s29] =	ssyncadd.s32 $0xFFFFFFFF  }
0xbf: {  	_ =	strace $0x90000048  }
0xc0: {  	_ =	sfence  }
0xc1: {  	s30 =	sld [smem:$0x0];
	_ =	sdelay $0x2  }
0xc2: {  	s31 =	sshll.u32 s1, $0xD;
	s1 =	sshrl.u32 s1, $0x2  }
0xc3: {  	s3 =	sand.u32 $0x4000, s31;
	s1 =	sadd.s32 s1, s30  }
0xc4: {  	s0 =	sor.u32 s3, s0;
	s1 =	sshll.u32 s1, $0x11  }
0xc5: {  	s0 =	sor.u32 s1, s0  }
0xc6: {  	s0 =	sadd.s32 $0x8F2B, s0  }
0xc7: {  	[sflag:s0] =	ssyncadd.remote.s32 $0x1  }
0xc8: {  	_ =	sfence.sel $0xFFFF  }
0xc9: {  	[dreg:$0x0] =	wrdreg $0xFFFFFFFF;
	(pc) =	sbr.abs _section_cstart, $3  }
0xca: {  	[dreg:$0x1] =	wrdreg $0xFFFFFFFF  }
0xcb: {  	_ =	task.clear_ibuf [dreg:s8], $0x2FFFF;
	_ =	strace $0x9FFFFFFF  }
0xcc: {  	(tm) =	ssettm $0x7FFFFFFF  }
0xcd: {  	_ =	shalt  }
tec
execute0_lowered:
.L_overlay_start_1:
0x0: {  	(tag) =	ssettag $0x1  }
0x1: {  	s0 =	rddreg [dreg:$0x0]  }
0x2: {  	s1 =	rddreg [dreg:$0x1]  }
0x3: {  	s2 =	rddreg [dreg:$0x3]  }
0x4: {  	s4 =	rddreg [dreg:$0x4];
	s16 =	stileid.u32  }
0x5: {  	s3 =	srdreg.scid;
	s5 =	rddreg [dreg:$0x5]  }
0x6: {  	s6 =	simm.s32 $0x0;
	s18 =	simm.s32 $0x4;
	s21 =	simm.s32 $0x1  }
0x7: {  	s22 =	simm.s32 $0x2;
	s23 =	simm.s32 $0x7D;
	s28 =	simm.s32 $0x10F40  }
0x8: {  	s29 =	simm.s32 $0x4F00;
	s30 =	simm.s32 $0x4F80;
	s11 =	smul.u32 $0x5000, s16  }
0x9: {  	s3 =	sand.u32 $0x1, s3;
	[smem:$0x7FF] =	sst s6;
	s12 =	smul.u32 $0x280, s16  }
0xa: {  	s31 =	simm.s32 $0x3;
	s8 =	smul.u32 $0x50000, s3;
	_ =	strace $0x80000047  }
0xb: {  	s10 =	smul.u32 $0x2800, s3;
	s13 =	sshll.u32 s3, $0x4;
	s3 =	ssub.s32 $0x2, s3  }
0xc: {  	s7 =	sshrl.u32 s11, $0x3;
	s13 =	sor.u32 s16, s13;
	s24 =	sshrl.u32 s3, $0x1  }
0xd: {  	s15 =	sadd.s32 s11, s2;
	s16 =	sshll.u32 s16, $0x6;
	s26 =	sadd.s32 s11, s4  }
0xe: {  	s20 =	sadd.s32 s12, s5;
	s9 =	sadd.s32 s7, s0;
	s7 =	sadd.s32 $0xC200, s0  }
0xf: {  	s8 =	sadd.s32 s11, s8;
	s10 =	sadd.s32 s12, s10;
	s13 =	smul.u32 $0x2800, s13  }
0x10: {  	s3 =	ssub.s32 s3, s24;
	s15 =	sshrl.u32 s15, $0x3;
	s17 =	sshrl.u32 s26, $0x3  }
0x11: {  	s20 =	sshrl.u32 s20, $0x3;
	s24 =	simm.s32 $0x5000;
	s8 =	sshrl.u32 s8, $0x3  }
0x12: {  	s26 =	simm.s32 $0x5FA0;
	s10 =	sshrl.u32 s10, $0x3;
	s14 =	sadd.s32 s8, s0  }
0x13: {  	s0 =	sadd.s32 s10, s0;
	s25 =	sshrl.u32 s13, $0x3;
	s8 =	sadd.s32 $0x2200, s9  }
0x14: {  	s10 =	sor.u32 $0x1C01, s16;
	s16 =	sor.u32 $0x1C04, s16;
	s9 =	sadd.s32 s1, s25  }
0x15: {  	s12 =	sadd.s32 $0xCE00, s14;
	s13 =	sadd.s32 $0xC400, s0;
	s14 =	smax.u32 s3, $0x1  }
0x16: {  	v0 =	vimm.f32 $1.000000000e+00;
	s25 =	simm.s32 $0x80;
	s3 =	simm.s32 $0x0;
	s11 =	sadd.s32 $0xA000, s9  }
.LBB2_1:
0x17: {  	[spmem:s15], [sflag:s10] =	dma.local [hbm:s8], $0xA00  }
0x18: {  	[tilespmem:s6], [sflag:$0x2] =	stream.linear.gather [hbm4b:s9+s6], $0x2800, $0x38;
	[tilespmem:$0x11240] =	vst v63  }
0x19: {  	s0 =	rddreg [dreg:$0x2]  }
0x1a: {  	[spmem:s17], [sflag:s16] =	dma.local [hbm:s0], $0xA00  }
0x1b: {  	_ =	swait.ge [sflag:s18], $0xA00  }
0x1c: {  	[sflag:s18] =	ssyncset.done $0x0  }
0x1d: {  	s1 =	simm.s32 $0x2800;
	[sflag:s18] =	ssyncadd.s32 $0xFFFFF600  }
0x1e: {  	[tilespmem:s1], [sflag:$0x4] =	stream.linear.gather [hbm4b:s11+s6], $0x2800, $0x38;
	[tilespmem:$0x11240] =	vst v63  }
0x1f: {  	_ =	swait.ge [sflag:s18], $0x2800  }
0x20: {  	[sflag:s18] =	ssyncset.done $0x0  }
0x21: {  	[sflag:s18] =	ssyncadd.s32 $0xFFFFD800  }
0x22: {  	[tilespmem:$0x10F40] =	vst v0  }
0x23: {  	[tilespmem:$0x10F50] =	vst v0  }
0x24: {  	[tilespmem:$0x10F60] =	vst v0  }
0x25: {  	[tilespmem:$0x10F70] =	vst v0  }
0x26: {  	[tilespmem:$0x10F80] =	vst v0  }
0x27: {  	[tilespmem:$0x10F90] =	vst v0  }
0x28: {  	[tilespmem:$0x10FA0] =	vst v0  }
0x29: {  	[tilespmem:$0x10FB0] =	vst v0  }
0x2a: {  	[spmem:s20], [sflag:s16] =	dma.local [hbm:s7], $0x50  }
0x2b: {  	_ =	swait.ge [sflag:s18], $0x50  }
0x2c: {  	[sflag:s18] =	ssyncset.done $0x0  }
0x2d: {  	[sflag:s18] =	ssyncadd.s32 $0xFFFFFFB0  }
0x2e: {  	_ =	swait.ge [sflag:s21], $0xA00  }
0x2f: {  	[sflag:s21] =	ssyncset.done $0x0  }
0x30: {  	[sflag:s21] =	ssyncadd.s32 $0xFFFFF600  }
0x31: {  	_ =	swait.ge [sflag:s22], $0x2800  }
0x32: {  	[sflag:s22] =	ssyncset.done $0x0  }
0x33: {  	[sflag:s22] =	ssyncadd.s32 $0xFFFFD800  }
0x34: {  	[bflag:$0x0] =	sbarrier.arrive $0xFFFF  }
0x35: {  	[tilespmem:s24], [sflag:$0x1] =	stream.indirect.gather [spmem:s2], $0x20, s6, s23, $0xb8;
	[tilespmem:$0x11240] =	vst v63  }
0x36: {  	_ = 	snop  }
0x37: {  	[tilespmem:s26], [sflag:$0x2] =	stream.indirect.gather [spmem:s2], $0x20, s25, s23, $0xb8;
	[tilespmem:$0x11240] =	vst v63  }
0x38: {  	_ =	swait.ge [sflag:s21], $0xFA0  }
0x39: {  	[sflag:s21] =	ssyncset.done $0x0  }
0x3a: {  	s19 =	simm.s32 $0x2800;
	[sflag:s21] =	ssyncadd.s32 $0xFFFFF060  }
0x3b: {  	[spmem:s4] =	stream.indirect.scatter.add.f32 [tilespmem:s24], [sflag:$0x4], $0x20, s19, s23, $0xb8;
	[tilespmem:$0x11240] =	vst v63  }
0x3c: {  	_ =	swait.ge [sflag:s18], $0xFA0  }
0x3d: {  	[sflag:s18] =	ssyncset.done $0x0  }
0x3e: {  	[sflag:s18] =	ssyncadd.s32 $0xFFFFF060  }
0x3f: {  	[spmem:s5] =	stream.indirect.scatter.add.f32 [tilespmem:s28], [sflag:$0x3], $0x1, s19, s23, $0xb8;
	[tilespmem:$0x11240] =	vst v63  }
0x40: {  	s1 =	simm.s32 $0x100  }
0x41: {  	[tilespmem:s24], [sflag:$0x1] =	stream.indirect.gather [spmem:s2], $0x20, s1, s23, $0xb8;
	[tilespmem:$0x11240] =	vst v63  }
0x42: {  	_ =	swait.ge [sflag:s22], $0xFA0  }
0x43: {  	[sflag:s22] =	ssyncset.done $0x0  }
0x44: {  	s19 =	simm.s32 $0x2880;
	[sflag:s22] =	ssyncadd.s32 $0xFFFFF060  }
0x45: {  	[spmem:s4] =	stream.indirect.scatter.add.f32 [tilespmem:s26], [sflag:$0x4], $0x20, s19, s23, $0xb8;
	[tilespmem:$0x11240] =	vst v63  }
0x46: {  	_ =	swait.ge [sflag:s18], $0xFA0  }
0x47: {  	[sflag:s18] =	ssyncset.done $0x0  }
0x48: {  	s0 =	simm.s32 $0x400;
	s1 =	simm.s32 $0x180;
	[sflag:s18] =	ssyncadd.s32 $0xFFFFF060  }
0x49: {  	[spmem:s5] =	stream.indirect.scatter.add.f32 [tilespmem:s28], [sflag:$0x3], $0x1, s19, s23, $0xb8;
	[tilespmem:$0x11240] =	vst v63  }
.LBB2_2:
0x4a: {  	[tilespmem:s26], [sflag:$0x2] =	stream.indirect.gather [spmem:s2], $0x20, s1, s23, $0xb8;
	[tilespmem:$0x11240] =	vst v63  }
0x4b: {  	s1 =	smov.u32 s0  }
0x4c: {  	p0 =	sne.s32 s0, $0x9800;
	s0 =	sadd.s32 $0x400, s0;
	_ =	swait.ge [sflag:s21], $0xFA0  }
0x4d: {  	s1 =	sshra.s32 s1, $0x2;
	[sflag:s21] =	ssyncset.done $0x0  }
0x4e: {  	s19 =	sadd.s32 $0x2800, s1;
	[sflag:s21] =	ssyncadd.s32 $0xFFFFF060  }
0x4f: {  	[spmem:s4] =	stream.indirect.scatter.add.f32 [tilespmem:s24], [sflag:$0x4], $0x20, s19, s23, $0xb8;
	[tilespmem:$0x11240] =	vst v63  }
0x50: {  	_ =	swait.ge [sflag:s18], $0xFA0  }
0x51: {  	[sflag:s18] =	ssyncset.done $0x0  }
0x52: {  	[sflag:s18] =	ssyncadd.s32 $0xFFFFF060  }
0x53: {  	[spmem:s5] =	stream.indirect.scatter.add.f32 [tilespmem:s28], [sflag:$0x3], $0x1, s19, s23, $0xb8;
	[tilespmem:$0x11240] =	vst v63  }
0x54: {  	s19 =	sadd.s32 $0x100, s1  }
0x55: {  	[tilespmem:s24], [sflag:$0x1] =	stream.indirect.gather [spmem:s2], $0x20, s19, s23, $0xb8;
	[tilespmem:$0x11240] =	vst v63  }
0x56: {  	_ =	swait.ge [sflag:s22], $0xFA0  }
0x57: {  	[sflag:s22] =	ssyncset.done $0x0  }
0x58: {  	s19 =	sadd.s32 $0x2880, s1;
	[sflag:s22] =	ssyncadd.s32 $0xFFFFF060  }
0x59: {  	[spmem:s4] =	stream.indirect.scatter.add.f32 [tilespmem:s26], [sflag:$0x4], $0x20, s19, s23, $0xb8;
	[tilespmem:$0x11240] =	vst v63  }
.Ltmp0:
0x5a: {  	_ =	swait.ge [sflag:s18], $0xFA0;
	(pc) =	sbr.rel @p0 .LBB2_2-.Ltmp0, $4  }
0x5b: {  	[sflag:s18] =	ssyncset.done $0x0  }
0x5c: {  	[sflag:s18] =	ssyncadd.s32 $0xFFFFF060  }
0x5d: {  	[spmem:s5] =	stream.indirect.scatter.add.f32 [tilespmem:s28], [sflag:$0x3], $0x1, s19, s23, $0xb8;
	[tilespmem:$0x11240] =	vst v63  }
0x5e: {  	s1 =	sadd.s32 $0x180, s1  }
0x5f: {  	[tilespmem:s26], [sflag:$0x2] =	stream.indirect.gather [spmem:s2], $0x20, s1, s23, $0xb8;
	[tilespmem:$0x11240] =	vst v63  }
0x60: {  	_ =	swait.ge [sflag:s21], $0xFA0  }
0x61: {  	[sflag:s21] =	ssyncset.done $0x0  }
0x62: {  	[sflag:s21] =	ssyncadd.s32 $0xFFFFF060  }
0x63: {  	[spmem:s4] =	stream.indirect.scatter.add.f32 [tilespmem:s24], [sflag:$0x4], $0x20, s29, s23, $0xb8;
	[tilespmem:$0x11240] =	vst v63  }
0x64: {  	_ =	swait.ge [sflag:s18], $0xFA0  }
0x65: {  	[sflag:s18] =	ssyncset.done $0x0  }
0x66: {  	[sflag:s18] =	ssyncadd.s32 $0xFFFFF060  }
0x67: {  	[spmem:s5] =	stream.indirect.scatter.add.f32 [tilespmem:s28], [sflag:$0x3], $0x1, s29, s23, $0xb8;
	[tilespmem:$0x11240] =	vst v63  }
0x68: {  	_ =	swait.ge [sflag:s22], $0xFA0  }
0x69: {  	[sflag:s22] =	ssyncset.done $0x0  }
0x6a: {  	[sflag:s22] =	ssyncadd.s32 $0xFFFFF060  }
0x6b: {  	[spmem:s4] =	stream.indirect.scatter.add.f32 [tilespmem:s26], [sflag:$0x4], $0x20, s30, s23, $0xb8;
	[tilespmem:$0x11240] =	vst v63  }
0x6c: {  	_ =	swait.ge [sflag:s18], $0xFA0  }
0x6d: {  	[sflag:s18] =	ssyncset.done $0x0  }
0x6e: {  	[sflag:s18] =	ssyncadd.s32 $0xFFFFF060  }
0x6f: {  	[spmem:s5] =	stream.indirect.scatter.add.f32 [tilespmem:s28], [sflag:$0x3], $0x1, s30, s23, $0xb8;
	[tilespmem:$0x11240] =	vst v63  }
0x70: {  	_ =	swait.ge [sflag:s31], $0x7D  }
0x71: {  	s0 =	simm.s32 $0x4F;
	[sflag:s31] =	ssyncset.done $0x0  }
.LBB2_4:
0x72: {  	p0 =	sne.s32 s0, $0x1;
	s0 =	sadd.s32 $0xFFFFFFFF, s0;
	[sflag:s31] =	ssyncadd.s32 $0xFFFFFF83  }
.Ltmp1:
0x73: {  	(pc) =	sbr.rel @p0 .LBB2_4-.Ltmp1, $3  }
0x74: {  	_ =	sdelay $0x1  }
0x75: {  	_ =	swait.ge [sflag:s31], $0x7D  }
0x76: {  	[sflag:s31] =	ssyncset.done $0x0  }
0x77: {  	[sflag:s31] =	ssyncadd.s32 $0xFFFFFF83  }
0x78: {  	[bflag:$0x0] =	sbarrier.arrive $0xFFFF  }
0x79: {  	[hbm:s12], [sflag:s16] =	dma.local [spmem:s17], $0xA00  }
0x7a: {  	s3 =	sadd.s32 $0x1, s3;
	_ =	swait.ge [sflag:s18], $0xA00  }
0x7b: {  	p0 =	sne.s32 s3, s14;
	[sflag:s18] =	ssyncset.done $0x0  }
.Ltmp2:
0x7c: {  	[sflag:s18] =	ssyncadd.s32 $0xFFFFF600;
	(pc) =	sbr.rel @p0 .LBB2_1-.Ltmp2, $4  }
0x7d: {  	[hbm:s13], [sflag:s16] =	dma.local [spmem:s20], $0x50  }
0x7e: {  	_ =	swait.ge [sflag:s18], $0x50  }
0x7f: {  	[sflag:s18] =	ssyncset.done $0x0  }
0x80: {  	[sflag:s18] =	ssyncadd.s32 $0xFFFFFFB0  }
0x81: {  	_ =	sfence.sel $0x180000  }
0x82: {  	[bflag:$0x0] =	sbarrier.arrive $0xFFFF  }
0x83: {  	_ =	strace $0x90000047  }
0x84: {  	s0 =	stileid.u32;
	[bflag:$0x2] =	sbarrier.arrive $0xFFFF  }
0x85: {  	p0 =	sne.s32 s0, $0x0;
	s0 =	rddreg [dreg:$0x6]  }
0x86: {  	s0 =	sadd.s32 @!p0 $0x100000, s0  }
0x87: {  	[sflag:s0] =	ssyncadd.tile.s32 @!p0 $0x1;
	_ =	shalt  }
.Lfunc_end2:
_tile_overlayer_lowered:
.L_overlay_start_2:
0x88: {  	(tag) =	ssettag $0x2  }
0x89: {  	s0 =	rddreg [dreg:$0x0];
	s2 =	stileid.u32  }
0x8a: {  	s1 =	rddreg [dreg:$0x1];
	p0 =	sne.s32 s2, $0x0  }
0x8b: {  	s3 =	rddreg [dreg:$0x2];
	[bflag:$0x3] =	sbarrier.arrive $0xFFFF;
	s2 =	simm.s32 @!p0 $0x1C04  }
0x8c: {  	[timem:s3], [sflag:s2] =	dma.local @!p0 [hbm:s0], s1  }
0x8d: {  	s0 =	simm.s32 @!p0 $0x4  }
0x8e: {  	_ =	swait.ge @!p0 [sflag:s0], s1  }
0x8f: {  	s1 =	ssub.s32 @!p0 $0x0, s1;
	[sflag:s0] =	ssyncset.done @!p0 $0x0  }
0x90: {  	[sflag:s0] =	ssyncadd.s32 @!p0 s1  }
0x91: {  	[bflag:$0x3] =	sbarrier.arrive $0xFFFF  }
0x92: {  	_ =	shalt  }

</sc_bundles>
